<compile_context>
chip_gen: v7x
topology: tpu7x:2x2x1
jax: 0.10.2.dev20260603
libtpu: 0.0.44.dev20260713+nightly
codegen_flags: <defaults>
</compile_context>

<pallas_src>
import functools

import jax
import jax.numpy as jnp
import numpy as np
from jax import lax
from jax.experimental import pallas as pl
from jax.experimental.pallas import tpu as pltpu
from jax.experimental.pallas import tpu_sc as plsc


_H = 8


def _sc_gather3(x, ef, src, dst, rev_idx):
    e, d = ef.shape[0], ef.shape[1]
    info = plsc.get_sparse_core_info()
    nc, ns = info.num_cores, info.num_subcores
    nw = nc * ns
    C = 128
    n_chunks = e // C
    mesh = plsc.VectorSubcoreMesh(core_axis_name="c", subcore_axis_name="s")

    @functools.partial(
        pl.kernel, mesh=mesh,
        out_type=[jax.ShapeDtypeStruct((e, d), jnp.float32)] * 3,
        scratch_types=[pltpu.VMEM((C,), jnp.int32),
                       pltpu.VMEM((C, d), jnp.float32),
                       pltpu.SemaphoreType.DMA],
    )
    def k(x_hbm, ef_hbm, src_hbm, dst_hbm, rid_hbm,
          xi_out, xj_out, rev_out, idx_v, rows_v, sem):
        wid = lax.axis_index("s") * nc + lax.axis_index("c")
        nj = (n_chunks - 1 - wid) // nw + 1

        def gather_one(table, idxlist, out):
            def body(j, carry):
                base = (wid + j * nw) * C
                pltpu.sync_copy(idxlist.at[pl.ds(base, C)], idx_v)
                pltpu.async_copy(table.at[idx_v], rows_v, sem).wait()
                pltpu.sync_copy(rows_v, out.at[pl.ds(base, C)])
                return carry
            lax.fori_loop(0, nj, body, 0)

        gather_one(x_hbm, src_hbm, xi_out)
        gather_one(x_hbm, dst_hbm, xj_out)
        gather_one(ef_hbm, rid_hbm, rev_out)

    return k(x, ef, src, dst, rev_idx)


def _edge_body(xi_ref, ef_ref, rev_ref, m_ref, xj_ref,
               W1_ref, b1_ref, W2_ref, b2_ref,
               Wq_ref, bq_ref, We_ref, be_ref, Wv_ref, bv_ref,
               B1_ref, a1_ref, B2_ref, a2_ref, S_ref,
               gcn_ref, xatt_ref):
    xi = xi_ref[...]
    ef = ef_ref[...]
    rev = rev_ref[...] * m_ref[...]
    xj = xj_ref[...]
    f32 = jnp.float32

    cat = jnp.concatenate([xi, ef, rev, xj], axis=1)
    h = jnp.maximum(jnp.dot(cat, W1_ref[...], preferred_element_type=f32)
                    + b1_ref[...], 0.0)
    gcn_ref[...] = jnp.dot(h, W2_ref[...], preferred_element_type=f32) + b2_ref[...]

    q = jnp.dot(xi, Wq_ref[...], preferred_element_type=f32) + bq_ref[...]
    ep = jnp.dot(ef, We_ref[...], preferred_element_type=f32) + be_ref[...]
    q2 = jnp.concatenate([q, ep], axis=1)
    h1 = jnp.maximum(jnp.dot(q2, B1_ref[...], preferred_element_type=f32)
                     + a1_ref[...], 0.0)
    lg = jnp.dot(h1, B2_ref[...], preferred_element_type=f32) + a2_ref[...]
    m = jnp.max(lg, axis=-1, keepdims=True)
    ex = jnp.exp(lg - m)
    s8 = jnp.dot(ex, S_ref[...], preferred_element_type=f32)
    denom = jnp.concatenate([s8] * 16, axis=1)
    val = jnp.dot(xj, Wv_ref[...], preferred_element_type=f32) + bv_ref[...]
    xatt_ref[...] = (ex / denom) * val


def _node_body(x_ref, agg_ref, P1_ref, p1_ref, P2_ref, p2_ref, out_ref):
    f32 = jnp.float32
    agg = agg_ref[...]
    agg = jnp.where(agg == -jnp.inf, 0.0, agg)
    cat = jnp.concatenate([x_ref[...], agg], axis=1)
    h = jnp.maximum(jnp.dot(cat, P1_ref[...], preferred_element_type=f32)
                    + p1_ref[...], 0.0)
    out_ref[...] = jnp.dot(h, P2_ref[...], preferred_element_type=f32) + p2_ref[...]


def _pick_tile(n, want):
    t = want
    while n % t or t % 8:
        t //= 2
        if t < 8:
            return 8
    return t


def kernel(x, edge_feature, edge_index, W1, b1, W2, b2, Wq, bq, We, be,
           Wv, bv, A1, a1, A2, a2, P1, p1, P2, p2):
    n = x.shape[0]
    e = edge_feature.shape[0]
    dn = x.shape[1]
    de = edge_feature.shape[1]
    da = Wv.shape[1]

    src = edge_index[0].astype(jnp.int32)
    dst = edge_index[1].astype(jnp.int32)

    keys = src * n + dst
    iota = jnp.arange(e, dtype=jnp.int32)
    skeys, order = lax.sort_key_val(keys, iota)
    rkeys = dst * n + src
    pos = jnp.searchsorted(skeys, rkeys)
    posc = jnp.clip(pos, 0, e - 1)
    packed = jnp.stack([skeys, order], axis=1)
    g = packed[posc]
    match = g[:, 0] == rkeys
    rev_idx = g[:, 1]

    xi, xj, rev = _sc_gather3(x, edge_feature, src, dst, rev_idx)
    matchf = match.astype(jnp.float32)[:, None]

    eye = jnp.eye(_H, dtype=jnp.float32)
    B1 = jnp.kron(A1.T, eye)
    a1r = jnp.repeat(a1, _H)
    B2 = jnp.kron(A2.T, eye)
    a2r = jnp.repeat(a2, _H)
    S = jnp.kron(jnp.ones((da // _H, 1), jnp.float32), eye)

    te = _pick_tile(e, 1600)
    grid_e = e // te

    def _full(shape):
        return pl.BlockSpec(shape, lambda i: (0,) * len(shape))

    row2 = lambda k: _full((1, k))

    edge_specs = [
        pl.BlockSpec((te, dn), lambda i: (i, 0)),
        pl.BlockSpec((te, de), lambda i: (i, 0)),
        pl.BlockSpec((te, de), lambda i: (i, 0)),
        pl.BlockSpec((te, 1), lambda i: (i, 0)),
        pl.BlockSpec((te, dn), lambda i: (i, 0)),
        _full(W1.shape), row2(W1.shape[1]),
        _full(W2.shape), row2(W2.shape[1]),
        _full(Wq.shape), row2(Wq.shape[1]),
        _full(We.shape), row2(We.shape[1]),
        _full(Wv.shape), row2(Wv.shape[1]),
        _full(B1.shape), row2(B1.shape[1]),
        _full(B2.shape), row2(B2.shape[1]),
        _full(S.shape),
    ]
    gcn, xatt = pl.pallas_call(
        _edge_body,
        grid=(grid_e,),
        in_specs=edge_specs,
        out_specs=[pl.BlockSpec((te, de), lambda i: (i, 0)),
                   pl.BlockSpec((te, da), lambda i: (i, 0))],
        out_shape=[jax.ShapeDtypeStruct((e, de), jnp.float32),
                   jax.ShapeDtypeStruct((e, da), jnp.float32)],
    )(xi, edge_feature, rev, matchf, xj,
      W1, b1[None, :], W2, b2[None, :],
      Wq, bq[None, :], We, be[None, :], Wv, bv[None, :],
      B1, a1r[None, :], B2, a2r[None, :], S)

    agg = jax.ops.segment_max(xatt, src, num_segments=n)

    tn = _pick_tile(n, 2000)
    out = pl.pallas_call(
        _node_body,
        grid=(n // tn,),
        in_specs=[
            pl.BlockSpec((tn, dn), lambda i: (i, 0)),
            pl.BlockSpec((tn, da), lambda i: (i, 0)),
            _full(P1.shape), row2(P1.shape[1]),
            _full(P2.shape), row2(P2.shape[1]),
        ],
        out_specs=pl.BlockSpec((tn, P2.shape[1]), lambda i: (i, 0)),
        out_shape=jax.ShapeDtypeStruct((n, P2.shape[1]), jnp.float32),
    )(x, agg, P1, p1[None, :], P2, p2[None, :])

    return (out, gcn)

# --- scband reference (transcript-rebuilt; emitter-appended) ---
"""Pipeline reference for scband-mmg-single-33663953666654 (READ-ONLY COPY).

The authoritative reference and input builder live on the scoring server;
editing this copy changes nothing except your own understanding.
"""

import jax, jax.numpy as jnp
import numpy as np

N = 10000
E = 160000
DN = 128
DE = 128
DA = 128
H = 8

def _glorot(key, shape):
    fan_in = shape[-1]
    return (jax.random.normal(key, shape, dtype=jnp.float32) / np.sqrt(fan_in)).astype(jnp.float32)

def setup_inputs(seed: int = 0):
    key = jax.random.key(seed)
    ks = jax.random.split(key, 16)
    dn = DN // H; de = DE // H; do = DA // H
    inp = {}
    inp['x'] = jax.random.normal(ks[0], (N, DN), dtype=jnp.float32)
    inp['edge_feature'] = jax.random.normal(ks[1], (E, DE), dtype=jnp.float32)
    inp['edge_index'] = jax.random.randint(ks[2], (2, E), 0, N).astype(jnp.int64)
    inp['W1'] = _glorot(ks[3], (2 * DN + 2 * DE, DN + DE))
    inp['b1'] = jnp.zeros((DN + DE,), jnp.float32)
    inp['W2'] = _glorot(ks[4], (DN + DE, DE))
    inp['b2'] = jnp.zeros((DE,), jnp.float32)
    inp['Wq'] = _glorot(ks[5], (DN, DN))
    inp['bq'] = jnp.zeros((DN,), jnp.float32)
    inp['We'] = _glorot(ks[6], (DE, DE))
    inp['be'] = jnp.zeros((DE,), jnp.float32)
    inp['Wv'] = _glorot(ks[7], (DN, DA))
    inp['bv'] = jnp.zeros((DA,), jnp.float32)
    inp['A1'] = _glorot(ks[8], (dn + de, dn + de))
    inp['a1'] = jnp.zeros((dn + de,), jnp.float32)
    inp['A2'] = _glorot(ks[9], (do, dn + de))
    inp['a2'] = jnp.zeros((do,), jnp.float32)
    inp['P1'] = _glorot(ks[10], (DN + DA, DN + DA))
    inp['p1'] = jnp.zeros((DN + DA,), jnp.float32)
    inp['P2'] = _glorot(ks[11], (DN + DA, DN))
    inp['p2'] = jnp.zeros((DN,), jnp.float32)
    return inp

def reference(x, edge_feature, edge_index, W1, b1, W2, b2, Wq, bq, We, be, Wv, bv, A1, a1, A2, a2, P1, p1, P2, p2):
    n = x.shape[0]
    e = edge_feature.shape[0]
    src = edge_index[0]
    dst = edge_index[1]
    # Gen_Index(flow='target_to_source'): x_i = x[edge_index[0]], x_j = x[edge_index[1]]
    x_i = x[src]
    x_j = x[dst]
    # reverse edge lookup: edge_dict[(src,dst)] -> idx; fetch feature of (dst,src) if it exists, else zeros
    keys = src * n + dst
    order = jnp.argsort(keys)
    skeys = keys[order]
    rkeys = dst * n + src
    pos = jnp.searchsorted(skeys, rkeys)
    posc = jnp.clip(pos, 0, e - 1)
    match = skeys[posc] == rkeys
    rev = edge_feature[order[posc]]
    reverse_edge_feature = jnp.where(match[:, None], rev, jnp.zeros_like(rev))
    # nn_edge MLP on [x_i, edge, reverse_edge, x_j]
    ef = jnp.concatenate([x_i, edge_feature, reverse_edge_feature, x_j], axis=1)
    h = jax.nn.relu(ef @ W1 + b1)
    gcn_edge_feature = h @ W2 + b2
    # FAT attention
    value = x_j @ Wv + bv
    q = (x_i @ Wq + bq).reshape(e, DN // H, H)
    ep = (edge_feature @ We + be).reshape(e, DE // H, H)
    qe = jnp.concatenate([q, ep], axis=1)  # [E, d_n+d_e, H]
    h1 = jax.nn.relu(jnp.einsum('oc,ech->eoh', A1, qe) + a1[None, :, None])
    logits = jnp.einsum('oc,ech->eoh', A2, h1) + a2[None, :, None]  # [E, d_o, H]
    prob = jax.nn.softmax(logits, axis=1)
    xatt = prob.reshape(e, DA) * value
    # Aggre_Index(aggr='max', flow='target_to_source'): scatter-max onto edge_index[0]
    agg = jax.ops.segment_max(xatt, src, num_segments=n)
    deg = jnp.zeros((n,), dtype=x.dtype).at[src].add(1.0)
    agg = jnp.where(deg[:, None] > 0, agg, 0.0)
    # prop MLP
    h2 = jax.nn.relu(jnp.concatenate([x, agg], axis=1) @ P1 + p1)
    out = h2 @ P2 + p2
    return (out, gcn_edge_feature)

if __name__ == "__main__":
    import jax
    _d = setup_inputs()
    print(jax.jit(kernel)(*tuple(_d.values())))

</pallas_src>

<mosaic_0001>
#map = affine_map<(d0, d1) -> (0, 0)>
#map1 = affine_map<(d0, d1) -> (0)>
module attributes {stable_mosaic.version = 14 : i64} {
  func.func @k(%arg0: i32, %arg1: i32, %arg2: memref<10000x128xf32, #tpu.memory_space<hbm>>, %arg3: memref<160000x128xf32, #tpu.memory_space<hbm>>, %arg4: memref<160000xi32, #tpu.memory_space<hbm>>, %arg5: memref<160000xi32, #tpu.memory_space<hbm>>, %arg6: memref<160000xi32, #tpu.memory_space<hbm>>, %arg7: memref<160000x128xf32, #tpu.memory_space<hbm>>, %arg8: memref<160000x128xf32, #tpu.memory_space<hbm>>, %arg9: memref<160000x128xf32, #tpu.memory_space<hbm>>, %arg10: memref<128xi32, #tpu.memory_space<vmem>>, %arg11: memref<128x128xf32, #tpu.memory_space<vmem>>, %arg12: memref<!tpu.dma_semaphore, #tpu.memory_space<semaphore_mem>>) attributes {dimension_semantics = [#tpu.dimension_semantics<core_parallel>, #tpu.dimension_semantics<subcore_parallel>], iteration_bounds = array<i64: 2, 16>, scalar_prefetch = 0 : i64, scratch_operands = 3 : i64, tpu.core_type = #tpu.core_type<sc_vector_subcore>, window_params = [{transform_indices = #map}, {transform_indices = #map}, {transform_indices = #map1}, {transform_indices = #map1}, {transform_indices = #map1}, {transform_indices = #map}, {transform_indices = #map}, {transform_indices = #map}]} {
    %mul3A = arith.constant 2 : i32
    %mul3A_0 = arith.muli %arg1, %mul3A : i32
    %add3A = arith.addi %mul3A_0, %arg0 : i32
    %sub3A = arith.constant 1249 : i32
    %sub3A_1 = arith.subi %sub3A, %add3A : i32
    %jit3A = arith.constant 32 : i32
    %div3A = arith.divsi %sub3A_1, %jit3A : i32
    %sign3A = arith.constant 0 : i32
    %sign3A_2 = arith.cmpi sgt, %sub3A_1, %sign3A : i32
    %sign3A_3 = arith.extui %sign3A_2 : i1 to i32
    %sign3A_4 = arith.constant 0 : i32
    %sign3A_5 = arith.cmpi slt, %sub3A_1, %sign3A_4 : i32
    %sign3A_6 = arith.extui %sign3A_5 : i1 to i32
    %sign3A_7 = arith.subi %sign3A_3, %sign3A_6 : i32
    %sign3A_8 = arith.constant 0 : i32
    %sign3A_9 = arith.cmpi sgt, %jit3A, %sign3A_8 : i32
    %sign3A_10 = arith.extui %sign3A_9 : i1 to i32
    %sign3A_11 = arith.constant 0 : i32
    %sign3A_12 = arith.cmpi slt, %jit3A, %sign3A_11 : i32
    %sign3A_13 = arith.extui %sign3A_12 : i1 to i32
    %sign3A_14 = arith.subi %sign3A_10, %sign3A_13 : i32
    %ne3A = arith.cmpi ne, %sign3A_7, %sign3A_14 : i32
    %rem3A = arith.remsi %sub3A_1, %jit3A : i32
    %ne3A_15 = arith.constant 0 : i32
    %ne3A_16 = arith.cmpi ne, %rem3A, %ne3A_15 : i32
    %and3A = arith.andi %ne3A, %ne3A_16 : i1
    %sub3A_17 = arith.constant 1 : i32
    %sub3A_18 = arith.subi %div3A, %sub3A_17 : i32
    %select_n3A = arith.select %and3A, %sub3A_18, %div3A : i32
    %add3A_19 = arith.constant 1 : i32
    %add3A_20 = arith.addi %select_n3A, %add3A_19 : i32
    %while3A = arith.constant 0 : i32
    %while3A_21 = arith.constant 0 : i32
    %while3A_22 = arith.subi %add3A_20, %while3A_21 : i32
    %while3A_23 = arith.addi %while3A_21, %while3A_22 : i32
    %while3A_24 = arith.constant 1 : i32
    %while3A_25 = arith.divsi %while3A_22, %while3A_24 : i32
    %while3A_26 = arith.muli %while3A_25, %while3A_24 : i32
    %while3A_27 = arith.addi %while3A_21, %while3A_26 : i32
    %while3A_28 = arith.constant 1 : i32
    scf.for %while3A_50 = %while3A_21 to %while3A_27 step %while3A_28  : i32 {
      %mul3A_51 = arith.constant 32 : i32
      %mul3A_52 = arith.muli %while3A_50, %mul3A_51 : i32
      %add3A_53 = arith.addi %add3A, %mul3A_52 : i32
      %mul3A_54 = arith.constant 128 : i32
      %mul3A_55 = arith.muli %add3A_53, %mul3A_54 : i32
      "tpu.region"() ({
        %run_scoped3A = tpu.sem_alloc : memref<!tpu.dma_semaphore, #tpu.memory_space<semaphore_mem>>
        %dma_start3A_60 = tpu.memref_slice %arg4[%mul3A_55] : memref<160000xi32, #tpu.memory_space<hbm>> -> memref<128xi32, #tpu.memory_space<hbm>>
        %dma_start3A_61 = tpu.memref_slice %arg4[%mul3A_55] : memref<160000xi32, #tpu.memory_space<hbm>> -> memref<128xi32, #tpu.memory_space<hbm>>
        tpu.enqueue_dma source(%dma_start3A_61 : memref<128xi32, #tpu.memory_space<hbm>>) target(%arg10 : memref<128xi32, #tpu.memory_space<vmem>>) target_semaphore(%run_scoped3A : memref<!tpu.dma_semaphore, #tpu.memory_space<semaphore_mem>>)
        %dma_wait3A_62 = tpu.memref_slice %arg4[%mul3A_55] : memref<160000xi32, #tpu.memory_space<hbm>> -> memref<128xi32, #tpu.memory_space<hbm>>
        %dma_wait3A_63 = tpu.memref_slice %arg4[%mul3A_55] : memref<160000xi32, #tpu.memory_space<hbm>> -> memref<128xi32, #tpu.memory_space<hbm>>
        tpu.wait_dma2 semaphore(%run_scoped3A : memref<!tpu.dma_semaphore, #tpu.memory_space<semaphore_mem>>) src(%dma_wait3A_63 : memref<128xi32, #tpu.memory_space<hbm>>) dst(%arg10 : memref<128xi32, #tpu.memory_space<vmem>>)
        tpu.yield
      }) : () -> ()
      %dma_start3A = arith.constant 0 : i32
      %dma_start3A_56 = arith.constant 0 : i32
      %dma_start3A_57 = tpu.memref_slice %arg2[%dma_start3A, %dma_start3A_56] : memref<10000x128xf32, #tpu.memory_space<hbm>> -> memref<10000x128xf32, #tpu.memory_space<hbm>>
      tpu.enqueue_indirect_dma source(%dma_start3A_57 : memref<10000x128xf32, #tpu.memory_space<hbm>>) target(%arg11 : memref<128x128xf32, #tpu.memory_space<vmem>>) offsets(%arg10 : memref<128xi32, #tpu.memory_space<vmem>>) semaphore(%arg12 : memref<!tpu.dma_semaphore, #tpu.memory_space<semaphore_mem>>)
      %dma_wait3A = arith.constant 0 : i32
      %dma_wait3A_58 = arith.constant 0 : i32
      %dma_wait3A_59 = tpu.memref_slice %arg2[%dma_wait3A, %dma_wait3A_58] : memref<10000x128xf32, #tpu.memory_space<hbm>> -> memref<10000x128xf32, #tpu.memory_space<hbm>>
      tpu.wait_indirect_dma semaphore(%arg12 : memref<!tpu.dma_semaphore, #tpu.memory_space<semaphore_mem>>) src(%dma_wait3A_59 : memref<10000x128xf32, #tpu.memory_space<hbm>>) dst(%arg11 : memref<128x128xf32, #tpu.memory_space<vmem>>)
      "tpu.region"() ({
        %run_scoped3A = tpu.sem_alloc : memref<!tpu.dma_semaphore, #tpu.memory_space<semaphore_mem>>
        %dma_start3A_60 = arith.constant 0 : i32
        %dma_start3A_61 = tpu.memref_slice %arg7[%mul3A_55, %dma_start3A_60] : memref<160000x128xf32, #tpu.memory_space<hbm>> -> memref<128x128xf32, #tpu.memory_space<hbm>>
        %dma_start3A_62 = arith.constant 0 : i32
        %dma_start3A_63 = tpu.memref_slice %arg7[%mul3A_55, %dma_start3A_62] : memref<160000x128xf32, #tpu.memory_space<hbm>> -> memref<128x128xf32, #tpu.memory_space<hbm>>
        tpu.enqueue_dma source(%arg11 : memref<128x128xf32, #tpu.memory_space<vmem>>) target(%dma_start3A_63 : memref<128x128xf32, #tpu.memory_space<hbm>>) target_semaphore(%run_scoped3A : memref<!tpu.dma_semaphore, #tpu.memory_space<semaphore_mem>>)
        %dma_wait3A_64 = arith.constant 0 : i32
        %dma_wait3A_65 = tpu.memref_slice %arg7[%mul3A_55, %dma_wait3A_64] : memref<160000x128xf32, #tpu.memory_space<hbm>> -> memref<128x128xf32, #tpu.memory_space<hbm>>
        %dma_wait3A_66 = arith.constant 0 : i32
        %dma_wait3A_67 = tpu.memref_slice %arg7[%mul3A_55, %dma_wait3A_66] : memref<160000x128xf32, #tpu.memory_space<hbm>> -> memref<128x128xf32, #tpu.memory_space<hbm>>
        tpu.wait_dma2 semaphore(%run_scoped3A : memref<!tpu.dma_semaphore, #tpu.memory_space<semaphore_mem>>) src(%arg11 : memref<128x128xf32, #tpu.memory_space<vmem>>) dst(%dma_wait3A_67 : memref<128x128xf32, #tpu.memory_space<hbm>>)
        tpu.yield
      }) : () -> ()
    }
    %while3A_29 = arith.constant 1 : i32
    scf.for %while3A_50 = %while3A_27 to %while3A_23 step %while3A_29  : i32 {
      %mul3A_51 = arith.constant 32 : i32
      %mul3A_52 = arith.muli %while3A_50, %mul3A_51 : i32
      %add3A_53 = arith.addi %add3A, %mul3A_52 : i32
      %mul3A_54 = arith.constant 128 : i32
      %mul3A_55 = arith.muli %add3A_53, %mul3A_54 : i32
      "tpu.region"() ({
        %run_scoped3A = tpu.sem_alloc : memref<!tpu.dma_semaphore, #tpu.memory_space<semaphore_mem>>
        %dma_start3A_60 = tpu.memref_slice %arg4[%mul3A_55] : memref<160000xi32, #tpu.memory_space<hbm>> -> memref<128xi32, #tpu.memory_space<hbm>>
        %dma_start3A_61 = tpu.memref_slice %arg4[%mul3A_55] : memref<160000xi32, #tpu.memory_space<hbm>> -> memref<128xi32, #tpu.memory_space<hbm>>
        tpu.enqueue_dma source(%dma_start3A_61 : memref<128xi32, #tpu.memory_space<hbm>>) target(%arg10 : memref<128xi32, #tpu.memory_space<vmem>>) target_semaphore(%run_scoped3A : memref<!tpu.dma_semaphore, #tpu.memory_space<semaphore_mem>>)
        %dma_wait3A_62 = tpu.memref_slice %arg4[%mul3A_55] : memref<160000xi32, #tpu.memory_space<hbm>> -> memref<128xi32, #tpu.memory_space<hbm>>
        %dma_wait3A_63 = tpu.memref_slice %arg4[%mul3A_55] : memref<160000xi32, #tpu.memory_space<hbm>> -> memref<128xi32, #tpu.memory_space<hbm>>
        tpu.wait_dma2 semaphore(%run_scoped3A : memref<!tpu.dma_semaphore, #tpu.memory_space<semaphore_mem>>) src(%dma_wait3A_63 : memref<128xi32, #tpu.memory_space<hbm>>) dst(%arg10 : memref<128xi32, #tpu.memory_space<vmem>>)
        tpu.yield
      }) : () -> ()
      %dma_start3A = arith.constant 0 : i32
      %dma_start3A_56 = arith.constant 0 : i32
      %dma_start3A_57 = tpu.memref_slice %arg2[%dma_start3A, %dma_start3A_56] : memref<10000x128xf32, #tpu.memory_space<hbm>> -> memref<10000x128xf32, #tpu.memory_space<hbm>>
      tpu.enqueue_indirect_dma source(%dma_start3A_57 : memref<10000x128xf32, #tpu.memory_space<hbm>>) target(%arg11 : memref<128x128xf32, #tpu.memory_space<vmem>>) offsets(%arg10 : memref<128xi32, #tpu.memory_space<vmem>>) semaphore(%arg12 : memref<!tpu.dma_semaphore, #tpu.memory_space<semaphore_mem>>)
      %dma_wait3A = arith.constant 0 : i32
      %dma_wait3A_58 = arith.constant 0 : i32
      %dma_wait3A_59 = tpu.memref_slice %arg2[%dma_wait3A, %dma_wait3A_58] : memref<10000x128xf32, #tpu.memory_space<hbm>> -> memref<10000x128xf32, #tpu.memory_space<hbm>>
      tpu.wait_indirect_dma semaphore(%arg12 : memref<!tpu.dma_semaphore, #tpu.memory_space<semaphore_mem>>) src(%dma_wait3A_59 : memref<10000x128xf32, #tpu.memory_space<hbm>>) dst(%arg11 : memref<128x128xf32, #tpu.memory_space<vmem>>)
      "tpu.region"() ({
        %run_scoped3A = tpu.sem_alloc : memref<!tpu.dma_semaphore, #tpu.memory_space<semaphore_mem>>
        %dma_start3A_60 = arith.constant 0 : i32
        %dma_start3A_61 = tpu.memref_slice %arg7[%mul3A_55, %dma_start3A_60] : memref<160000x128xf32, #tpu.memory_space<hbm>> -> memref<128x128xf32, #tpu.memory_space<hbm>>
        %dma_start3A_62 = arith.constant 0 : i32
        %dma_start3A_63 = tpu.memref_slice %arg7[%mul3A_55, %dma_start3A_62] : memref<160000x128xf32, #tpu.memory_space<hbm>> -> memref<128x128xf32, #tpu.memory_space<hbm>>
        tpu.enqueue_dma source(%arg11 : memref<128x128xf32, #tpu.memory_space<vmem>>) target(%dma_start3A_63 : memref<128x128xf32, #tpu.memory_space<hbm>>) target_semaphore(%run_scoped3A : memref<!tpu.dma_semaphore, #tpu.memory_space<semaphore_mem>>)
        %dma_wait3A_64 = arith.constant 0 : i32
        %dma_wait3A_65 = tpu.memref_slice %arg7[%mul3A_55, %dma_wait3A_64] : memref<160000x128xf32, #tpu.memory_space<hbm>> -> memref<128x128xf32, #tpu.memory_space<hbm>>
        %dma_wait3A_66 = arith.constant 0 : i32
        %dma_wait3A_67 = tpu.memref_slice %arg7[%mul3A_55, %dma_wait3A_66] : memref<160000x128xf32, #tpu.memory_space<hbm>> -> memref<128x128xf32, #tpu.memory_space<hbm>>
        tpu.wait_dma2 semaphore(%run_scoped3A : memref<!tpu.dma_semaphore, #tpu.memory_space<semaphore_mem>>) src(%arg11 : memref<128x128xf32, #tpu.memory_space<vmem>>) dst(%dma_wait3A_67 : memref<128x128xf32, #tpu.memory_space<hbm>>)
        tpu.yield
      }) : () -> ()
    }
    %while3A_30 = arith.constant 0 : i32
    %while3A_31 = arith.constant 0 : i32
    %while3A_32 = arith.subi %add3A_20, %while3A_31 : i32
    %while3A_33 = arith.addi %while3A_31, %while3A_32 : i32
    %while3A_34 = arith.constant 1 : i32
    %while3A_35 = arith.divsi %while3A_32, %while3A_34 : i32
    %while3A_36 = arith.muli %while3A_35, %while3A_34 : i32
    %while3A_37 = arith.addi %while3A_31, %while3A_36 : i32
    %while3A_38 = arith.constant 1 : i32
    scf.for %while3A_50 = %while3A_31 to %while3A_37 step %while3A_38  : i32 {
      %mul3A_51 = arith.constant 32 : i32
      %mul3A_52 = arith.muli %while3A_50, %mul3A_51 : i32
      %add3A_53 = arith.addi %add3A, %mul3A_52 : i32
      %mul3A_54 = arith.constant 128 : i32
      %mul3A_55 = arith.muli %add3A_53, %mul3A_54 : i32
      "tpu.region"() ({
        %run_scoped3A = tpu.sem_alloc : memref<!tpu.dma_semaphore, #tpu.memory_space<semaphore_mem>>
        %dma_start3A_60 = tpu.memref_slice %arg5[%mul3A_55] : memref<160000xi32, #tpu.memory_space<hbm>> -> memref<128xi32, #tpu.memory_space<hbm>>
        %dma_start3A_61 = tpu.memref_slice %arg5[%mul3A_55] : memref<160000xi32, #tpu.memory_space<hbm>> -> memref<128xi32, #tpu.memory_space<hbm>>
        tpu.enqueue_dma source(%dma_start3A_61 : memref<128xi32, #tpu.memory_space<hbm>>) target(%arg10 : memref<128xi32, #tpu.memory_space<vmem>>) target_semaphore(%run_scoped3A : memref<!tpu.dma_semaphore, #tpu.memory_space<semaphore_mem>>)
        %dma_wait3A_62 = tpu.memref_slice %arg5[%mul3A_55] : memref<160000xi32, #tpu.memory_space<hbm>> -> memref<128xi32, #tpu.memory_space<hbm>>
        %dma_wait3A_63 = tpu.memref_slice %arg5[%mul3A_55] : memref<160000xi32, #tpu.memory_space<hbm>> -> memref<128xi32, #tpu.memory_space<hbm>>
        tpu.wait_dma2 semaphore(%run_scoped3A : memref<!tpu.dma_semaphore, #tpu.memory_space<semaphore_mem>>) src(%dma_wait3A_63 : memref<128xi32, #tpu.memory_space<hbm>>) dst(%arg10 : memref<128xi32, #tpu.memory_space<vmem>>)
        tpu.yield
      }) : () -> ()
      %dma_start3A = arith.constant 0 : i32
      %dma_start3A_56 = arith.constant 0 : i32
      %dma_start3A_57 = tpu.memref_slice %arg2[%dma_start3A, %dma_start3A_56] : memref<10000x128xf32, #tpu.memory_space<hbm>> -> memref<10000x128xf32, #tpu.memory_space<hbm>>
      tpu.enqueue_indirect_dma source(%dma_start3A_57 : memref<10000x128xf32, #tpu.memory_space<hbm>>) target(%arg11 : memref<128x128xf32, #tpu.memory_space<vmem>>) offsets(%arg10 : memref<128xi32, #tpu.memory_space<vmem>>) semaphore(%arg12 : memref<!tpu.dma_semaphore, #tpu.memory_space<semaphore_mem>>)
      %dma_wait3A = arith.constant 0 : i32
      %dma_wait3A_58 = arith.constant 0 : i32
      %dma_wait3A_59 = tpu.memref_slice %arg2[%dma_wait3A, %dma_wait3A_58] : memref<10000x128xf32, #tpu.memory_space<hbm>> -> memref<10000x128xf32, #tpu.memory_space<hbm>>
      tpu.wait_indirect_dma semaphore(%arg12 : memref<!tpu.dma_semaphore, #tpu.memory_space<semaphore_mem>>) src(%dma_wait3A_59 : memref<10000x128xf32, #tpu.memory_space<hbm>>) dst(%arg11 : memref<128x128xf32, #tpu.memory_space<vmem>>)
      "tpu.region"() ({
        %run_scoped3A = tpu.sem_alloc : memref<!tpu.dma_semaphore, #tpu.memory_space<semaphore_mem>>
        %dma_start3A_60 = arith.constant 0 : i32
        %dma_start3A_61 = tpu.memref_slice %arg8[%mul3A_55, %dma_start3A_60] : memref<160000x128xf32, #tpu.memory_space<hbm>> -> memref<128x128xf32, #tpu.memory_space<hbm>>
        %dma_start3A_62 = arith.constant 0 : i32
        %dma_start3A_63 = tpu.memref_slice %arg8[%mul3A_55, %dma_start3A_62] : memref<160000x128xf32, #tpu.memory_space<hbm>> -> memref<128x128xf32, #tpu.memory_space<hbm>>
        tpu.enqueue_dma source(%arg11 : memref<128x128xf32, #tpu.memory_space<vmem>>) target(%dma_start3A_63 : memref<128x128xf32, #tpu.memory_space<hbm>>) target_semaphore(%run_scoped3A : memref<!tpu.dma_semaphore, #tpu.memory_space<semaphore_mem>>)
        %dma_wait3A_64 = arith.constant 0 : i32
        %dma_wait3A_65 = tpu.memref_slice %arg8[%mul3A_55, %dma_wait3A_64] : memref<160000x128xf32, #tpu.memory_space<hbm>> -> memref<128x128xf32, #tpu.memory_space<hbm>>
        %dma_wait3A_66 = arith.constant 0 : i32
        %dma_wait3A_67 = tpu.memref_slice %arg8[%mul3A_55, %dma_wait3A_66] : memref<160000x128xf32, #tpu.memory_space<hbm>> -> memref<128x128xf32, #tpu.memory_space<hbm>>
        tpu.wait_dma2 semaphore(%run_scoped3A : memref<!tpu.dma_semaphore, #tpu.memory_space<semaphore_mem>>) src(%arg11 : memref<128x128xf32, #tpu.memory_space<vmem>>) dst(%dma_wait3A_67 : memref<128x128xf32, #tpu.memory_space<hbm>>)
        tpu.yield
      }) : () -> ()
    }
    %while3A_39 = arith.constant 1 : i32
    scf.for %while3A_50 = %while3A_37 to %while3A_33 step %while3A_39  : i32 {
      %mul3A_51 = arith.constant 32 : i32
      %mul3A_52 = arith.muli %while3A_50, %mul3A_51 : i32
      %add3A_53 = arith.addi %add3A, %mul3A_52 : i32
      %mul3A_54 = arith.constant 128 : i32
      %mul3A_55 = arith.muli %add3A_53, %mul3A_54 : i32
      "tpu.region"() ({
        %run_scoped3A = tpu.sem_alloc : memref<!tpu.dma_semaphore, #tpu.memory_space<semaphore_mem>>
        %dma_start3A_60 = tpu.memref_slice %arg5[%mul3A_55] : memref<160000xi32, #tpu.memory_space<hbm>> -> memref<128xi32, #tpu.memory_space<hbm>>
        %dma_start3A_61 = tpu.memref_slice %arg5[%mul3A_55] : memref<160000xi32, #tpu.memory_space<hbm>> -> memref<128xi32, #tpu.memory_space<hbm>>
        tpu.enqueue_dma source(%dma_start3A_61 : memref<128xi32, #tpu.memory_space<hbm>>) target(%arg10 : memref<128xi32, #tpu.memory_space<vmem>>) target_semaphore(%run_scoped3A : memref<!tpu.dma_semaphore, #tpu.memory_space<semaphore_mem>>)
        %dma_wait3A_62 = tpu.memref_slice %arg5[%mul3A_55] : memref<160000xi32, #tpu.memory_space<hbm>> -> memref<128xi32, #tpu.memory_space<hbm>>
        %dma_wait3A_63 = tpu.memref_slice %arg5[%mul3A_55] : memref<160000xi32, #tpu.memory_space<hbm>> -> memref<128xi32, #tpu.memory_space<hbm>>
        tpu.wait_dma2 semaphore(%run_scoped3A : memref<!tpu.dma_semaphore, #tpu.memory_space<semaphore_mem>>) src(%dma_wait3A_63 : memref<128xi32, #tpu.memory_space<hbm>>) dst(%arg10 : memref<128xi32, #tpu.memory_space<vmem>>)
        tpu.yield
      }) : () -> ()
      %dma_start3A = arith.constant 0 : i32
      %dma_start3A_56 = arith.constant 0 : i32
      %dma_start3A_57 = tpu.memref_slice %arg2[%dma_start3A, %dma_start3A_56] : memref<10000x128xf32, #tpu.memory_space<hbm>> -> memref<10000x128xf32, #tpu.memory_space<hbm>>
      tpu.enqueue_indirect_dma source(%dma_start3A_57 : memref<10000x128xf32, #tpu.memory_space<hbm>>) target(%arg11 : memref<128x128xf32, #tpu.memory_space<vmem>>) offsets(%arg10 : memref<128xi32, #tpu.memory_space<vmem>>) semaphore(%arg12 : memref<!tpu.dma_semaphore, #tpu.memory_space<semaphore_mem>>)
      %dma_wait3A = arith.constant 0 : i32
      %dma_wait3A_58 = arith.constant 0 : i32
      %dma_wait3A_59 = tpu.memref_slice %arg2[%dma_wait3A, %dma_wait3A_58] : memref<10000x128xf32, #tpu.memory_space<hbm>> -> memref<10000x128xf32, #tpu.memory_space<hbm>>
      tpu.wait_indirect_dma semaphore(%arg12 : memref<!tpu.dma_semaphore, #tpu.memory_space<semaphore_mem>>) src(%dma_wait3A_59 : memref<10000x128xf32, #tpu.memory_space<hbm>>) dst(%arg11 : memref<128x128xf32, #tpu.memory_space<vmem>>)
      "tpu.region"() ({
        %run_scoped3A = tpu.sem_alloc : memref<!tpu.dma_semaphore, #tpu.memory_space<semaphore_mem>>
        %dma_start3A_60 = arith.constant 0 : i32
        %dma_start3A_61 = tpu.memref_slice %arg8[%mul3A_55, %dma_start3A_60] : memref<160000x128xf32, #tpu.memory_space<hbm>> -> memref<128x128xf32, #tpu.memory_space<hbm>>
        %dma_start3A_62 = arith.constant 0 : i32
        %dma_start3A_63 = tpu.memref_slice %arg8[%mul3A_55, %dma_start3A_62] : memref<160000x128xf32, #tpu.memory_space<hbm>> -> memref<128x128xf32, #tpu.memory_space<hbm>>
        tpu.enqueue_dma source(%arg11 : memref<128x128xf32, #tpu.memory_space<vmem>>) target(%dma_start3A_63 : memref<128x128xf32, #tpu.memory_space<hbm>>) target_semaphore(%run_scoped3A : memref<!tpu.dma_semaphore, #tpu.memory_space<semaphore_mem>>)
        %dma_wait3A_64 = arith.constant 0 : i32
        %dma_wait3A_65 = tpu.memref_slice %arg8[%mul3A_55, %dma_wait3A_64] : memref<160000x128xf32, #tpu.memory_space<hbm>> -> memref<128x128xf32, #tpu.memory_space<hbm>>
        %dma_wait3A_66 = arith.constant 0 : i32
        %dma_wait3A_67 = tpu.memref_slice %arg8[%mul3A_55, %dma_wait3A_66] : memref<160000x128xf32, #tpu.memory_space<hbm>> -> memref<128x128xf32, #tpu.memory_space<hbm>>
        tpu.wait_dma2 semaphore(%run_scoped3A : memref<!tpu.dma_semaphore, #tpu.memory_space<semaphore_mem>>) src(%arg11 : memref<128x128xf32, #tpu.memory_space<vmem>>) dst(%dma_wait3A_67 : memref<128x128xf32, #tpu.memory_space<hbm>>)
        tpu.yield
      }) : () -> ()
    }
    %while3A_40 = arith.constant 0 : i32
    %while3A_41 = arith.constant 0 : i32
    %while3A_42 = arith.subi %add3A_20, %while3A_41 : i32
    %while3A_43 = arith.addi %while3A_41, %while3A_42 : i32
    %while3A_44 = arith.constant 1 : i32
    %while3A_45 = arith.divsi %while3A_42, %while3A_44 : i32
    %while3A_46 = arith.muli %while3A_45, %while3A_44 : i32
    %while3A_47 = arith.addi %while3A_41, %while3A_46 : i32
    %while3A_48 = arith.constant 1 : i32
    scf.for %while3A_50 = %while3A_41 to %while3A_47 step %while3A_48  : i32 {
      %mul3A_51 = arith.constant 32 : i32
      %mul3A_52 = arith.muli %while3A_50, %mul3A_51 : i32
      %add3A_53 = arith.addi %add3A, %mul3A_52 : i32
      %mul3A_54 = arith.constant 128 : i32
      %mul3A_55 = arith.muli %add3A_53, %mul3A_54 : i32
      "tpu.region"() ({
        %run_scoped3A = tpu.sem_alloc : memref<!tpu.dma_semaphore, #tpu.memory_space<semaphore_mem>>
        %dma_start3A_60 = tpu.memref_slice %arg6[%mul3A_55] : memref<160000xi32, #tpu.memory_space<hbm>> -> memref<128xi32, #tpu.memory_space<hbm>>
        %dma_start3A_61 = tpu.memref_slice %arg6[%mul3A_55] : memref<160000xi32, #tpu.memory_space<hbm>> -> memref<128xi32, #tpu.memory_space<hbm>>
        tpu.enqueue_dma source(%dma_start3A_61 : memref<128xi32, #tpu.memory_space<hbm>>) target(%arg10 : memref<128xi32, #tpu.memory_space<vmem>>) target_semaphore(%run_scoped3A : memref<!tpu.dma_semaphore, #tpu.memory_space<semaphore_mem>>)
        %dma_wait3A_62 = tpu.memref_slice %arg6[%mul3A_55] : memref<160000xi32, #tpu.memory_space<hbm>> -> memref<128xi32, #tpu.memory_space<hbm>>
        %dma_wait3A_63 = tpu.memref_slice %arg6[%mul3A_55] : memref<160000xi32, #tpu.memory_space<hbm>> -> memref<128xi32, #tpu.memory_space<hbm>>
        tpu.wait_dma2 semaphore(%run_scoped3A : memref<!tpu.dma_semaphore, #tpu.memory_space<semaphore_mem>>) src(%dma_wait3A_63 : memref<128xi32, #tpu.memory_space<hbm>>) dst(%arg10 : memref<128xi32, #tpu.memory_space<vmem>>)
        tpu.yield
      }) : () -> ()
      %dma_start3A = arith.constant 0 : i32
      %dma_start3A_56 = arith.constant 0 : i32
      %dma_start3A_57 = tpu.memref_slice %arg3[%dma_start3A, %dma_start3A_56] : memref<160000x128xf32, #tpu.memory_space<hbm>> -> memref<160000x128xf32, #tpu.memory_space<hbm>>
      tpu.enqueue_indirect_dma source(%dma_start3A_57 : memref<160000x128xf32, #tpu.memory_space<hbm>>) target(%arg11 : memref<128x128xf32, #tpu.memory_space<vmem>>) offsets(%arg10 : memref<128xi32, #tpu.memory_space<vmem>>) semaphore(%arg12 : memref<!tpu.dma_semaphore, #tpu.memory_space<semaphore_mem>>)
      %dma_wait3A = arith.constant 0 : i32
      %dma_wait3A_58 = arith.constant 0 : i32
      %dma_wait3A_59 = tpu.memref_slice %arg3[%dma_wait3A, %dma_wait3A_58] : memref<160000x128xf32, #tpu.memory_space<hbm>> -> memref<160000x128xf32, #tpu.memory_space<hbm>>
      tpu.wait_indirect_dma semaphore(%arg12 : memref<!tpu.dma_semaphore, #tpu.memory_space<semaphore_mem>>) src(%dma_wait3A_59 : memref<160000x128xf32, #tpu.memory_space<hbm>>) dst(%arg11 : memref<128x128xf32, #tpu.memory_space<vmem>>)
      "tpu.region"() ({
        %run_scoped3A = tpu.sem_alloc : memref<!tpu.dma_semaphore, #tpu.memory_space<semaphore_mem>>
        %dma_start3A_60 = arith.constant 0 : i32
        %dma_start3A_61 = tpu.memref_slice %arg9[%mul3A_55, %dma_start3A_60] : memref<160000x128xf32, #tpu.memory_space<hbm>> -> memref<128x128xf32, #tpu.memory_space<hbm>>
        %dma_start3A_62 = arith.constant 0 : i32
        %dma_start3A_63 = tpu.memref_slice %arg9[%mul3A_55, %dma_start3A_62] : memref<160000x128xf32, #tpu.memory_space<hbm>> -> memref<128x128xf32, #tpu.memory_space<hbm>>
        tpu.enqueue_dma source(%arg11 : memref<128x128xf32, #tpu.memory_space<vmem>>) target(%dma_start3A_63 : memref<128x128xf32, #tpu.memory_space<hbm>>) target_semaphore(%run_scoped3A : memref<!tpu.dma_semaphore, #tpu.memory_space<semaphore_mem>>)
        %dma_wait3A_64 = arith.constant 0 : i32
        %dma_wait3A_65 = tpu.memref_slice %arg9[%mul3A_55, %dma_wait3A_64] : memref<160000x128xf32, #tpu.memory_space<hbm>> -> memref<128x128xf32, #tpu.memory_space<hbm>>
        %dma_wait3A_66 = arith.constant 0 : i32
        %dma_wait3A_67 = tpu.memref_slice %arg9[%mul3A_55, %dma_wait3A_66] : memref<160000x128xf32, #tpu.memory_space<hbm>> -> memref<128x128xf32, #tpu.memory_space<hbm>>
        tpu.wait_dma2 semaphore(%run_scoped3A : memref<!tpu.dma_semaphore, #tpu.memory_space<semaphore_mem>>) src(%arg11 : memref<128x128xf32, #tpu.memory_space<vmem>>) dst(%dma_wait3A_67 : memref<128x128xf32, #tpu.memory_space<hbm>>)
        tpu.yield
      }) : () -> ()
    }
    %while3A_49 = arith.constant 1 : i32
    scf.for %while3A_50 = %while3A_47 to %while3A_43 step %while3A_49  : i32 {
      %mul3A_51 = arith.constant 32 : i32
      %mul3A_52 = arith.muli %while3A_50, %mul3A_51 : i32
      %add3A_53 = arith.addi %add3A, %mul3A_52 : i32
      %mul3A_54 = arith.constant 128 : i32
      %mul3A_55 = arith.muli %add3A_53, %mul3A_54 : i32
      "tpu.region"() ({
        %run_scoped3A = tpu.sem_alloc : memref<!tpu.dma_semaphore, #tpu.memory_space<semaphore_mem>>
        %dma_start3A_60 = tpu.memref_slice %arg6[%mul3A_55] : memref<160000xi32, #tpu.memory_space<hbm>> -> memref<128xi32, #tpu.memory_space<hbm>>
        %dma_start3A_61 = tpu.memref_slice %arg6[%mul3A_55] : memref<160000xi32, #tpu.memory_space<hbm>> -> memref<128xi32, #tpu.memory_space<hbm>>
        tpu.enqueue_dma source(%dma_start3A_61 : memref<128xi32, #tpu.memory_space<hbm>>) target(%arg10 : memref<128xi32, #tpu.memory_space<vmem>>) target_semaphore(%run_scoped3A : memref<!tpu.dma_semaphore, #tpu.memory_space<semaphore_mem>>)
        %dma_wait3A_62 = tpu.memref_slice %arg6[%mul3A_55] : memref<160000xi32, #tpu.memory_space<hbm>> -> memref<128xi32, #tpu.memory_space<hbm>>
        %dma_wait3A_63 = tpu.memref_slice %arg6[%mul3A_55] : memref<160000xi32, #tpu.memory_space<hbm>> -> memref<128xi32, #tpu.memory_space<hbm>>
        tpu.wait_dma2 semaphore(%run_scoped3A : memref<!tpu.dma_semaphore, #tpu.memory_space<semaphore_mem>>) src(%dma_wait3A_63 : memref<128xi32, #tpu.memory_space<hbm>>) dst(%arg10 : memref<128xi32, #tpu.memory_space<vmem>>)
        tpu.yield
      }) : () -> ()
      %dma_start3A = arith.constant 0 : i32
      %dma_start3A_56 = arith.constant 0 : i32
      %dma_start3A_57 = tpu.memref_slice %arg3[%dma_start3A, %dma_start3A_56] : memref<160000x128xf32, #tpu.memory_space<hbm>> -> memref<160000x128xf32, #tpu.memory_space<hbm>>
      tpu.enqueue_indirect_dma source(%dma_start3A_57 : memref<160000x128xf32, #tpu.memory_space<hbm>>) target(%arg11 : memref<128x128xf32, #tpu.memory_space<vmem>>) offsets(%arg10 : memref<128xi32, #tpu.memory_space<vmem>>) semaphore(%arg12 : memref<!tpu.dma_semaphore, #tpu.memory_space<semaphore_mem>>)
      %dma_wait3A = arith.constant 0 : i32
      %dma_wait3A_58 = arith.constant 0 : i32
      %dma_wait3A_59 = tpu.memref_slice %arg3[%dma_wait3A, %dma_wait3A_58] : memref<160000x128xf32, #tpu.memory_space<hbm>> -> memref<160000x128xf32, #tpu.memory_space<hbm>>
      tpu.wait_indirect_dma semaphore(%arg12 : memref<!tpu.dma_semaphore, #tpu.memory_space<semaphore_mem>>) src(%dma_wait3A_59 : memref<160000x128xf32, #tpu.memory_space<hbm>>) dst(%arg11 : memref<128x128xf32, #tpu.memory_space<vmem>>)
      "tpu.region"() ({
        %run_scoped3A = tpu.sem_alloc : memref<!tpu.dma_semaphore, #tpu.memory_space<semaphore_mem>>
        %dma_start3A_60 = arith.constant 0 : i32
        %dma_start3A_61 = tpu.memref_slice %arg9[%mul3A_55, %dma_start3A_60] : memref<160000x128xf32, #tpu.memory_space<hbm>> -> memref<128x128xf32, #tpu.memory_space<hbm>>
        %dma_start3A_62 = arith.constant 0 : i32
        %dma_start3A_63 = tpu.memref_slice %arg9[%mul3A_55, %dma_start3A_62] : memref<160000x128xf32, #tpu.memory_space<hbm>> -> memref<128x128xf32, #tpu.memory_space<hbm>>
        tpu.enqueue_dma source(%arg11 : memref<128x128xf32, #tpu.memory_space<vmem>>) target(%dma_start3A_63 : memref<128x128xf32, #tpu.memory_space<hbm>>) target_semaphore(%run_scoped3A : memref<!tpu.dma_semaphore, #tpu.memory_space<semaphore_mem>>)
        %dma_wait3A_64 = arith.constant 0 : i32
        %dma_wait3A_65 = tpu.memref_slice %arg9[%mul3A_55, %dma_wait3A_64] : memref<160000x128xf32, #tpu.memory_space<hbm>> -> memref<128x128xf32, #tpu.memory_space<hbm>>
        %dma_wait3A_66 = arith.constant 0 : i32
        %dma_wait3A_67 = tpu.memref_slice %arg9[%mul3A_55, %dma_wait3A_66] : memref<160000x128xf32, #tpu.memory_space<hbm>> -> memref<128x128xf32, #tpu.memory_space<hbm>>
        tpu.wait_dma2 semaphore(%run_scoped3A : memref<!tpu.dma_semaphore, #tpu.memory_space<semaphore_mem>>) src(%arg11 : memref<128x128xf32, #tpu.memory_space<vmem>>) dst(%dma_wait3A_67 : memref<128x128xf32, #tpu.memory_space<hbm>>)
        tpu.yield
      }) : () -> ()
    }
    return
  }
}

module attributes {stable_mosaic.version = 14 : i64} {
  func.func @_edge_body(%arg0: i32, %arg1: memref<1600x128xf32, #tpu.memory_space<vmem>>, %arg2: memref<1600x128xf32, #tpu.memory_space<vmem>>, %arg3: memref<1600x128xf32, #tpu.memory_space<vmem>>, %arg4: memref<1600x1xf32, #tpu.memory_space<vmem>>, %arg5: memref<1600x128xf32, #tpu.memory_space<vmem>>, %arg6: memref<512x256xf32, #tpu.memory_space<vmem>>, %arg7: memref<1x256xf32, #tpu.memory_space<vmem>>, %arg8: memref<256x128xf32, #tpu.memory_space<vmem>>, %arg9: memref<1x128xf32, #tpu.memory_space<vmem>>, %arg10: memref<128x128xf32, #tpu.memory_space<vmem>>, %arg11: memref<1x128xf32, #tpu.memory_space<vmem>>, %arg12: memref<128x128xf32, #tpu.memory_space<vmem>>, %arg13: memref<1x128xf32, #tpu.memory_space<vmem>>, %arg14: memref<128x128xf32, #tpu.memory_space<vmem>>, %arg15: memref<1x128xf32, #tpu.memory_space<vmem>>, %arg16: memref<256x256xf32, #tpu.memory_space<vmem>>, %arg17: memref<1x256xf32, #tpu.memory_space<vmem>>, %arg18: memref<256x128xf32, #tpu.memory_space<vmem>>, %arg19: memref<1x128xf32, #tpu.memory_space<vmem>>, %arg20: memref<128x8xf32, #tpu.memory_space<vmem>>, %arg21: memref<1600x128xf32, #tpu.memory_space<vmem>>, %arg22: memref<1600x128xf32, #tpu.memory_space<vmem>>) attributes {dimension_semantics = [#tpu.dimension_semantics<arbitrary>], iteration_bounds = array<i64: 100>, scalar_prefetch = 0 : i64, scratch_operands = 0 : i64, tpu.core_type = #tpu.core_type<tc>, window_params = [{transform_indices = @transform_0, window_bounds = array<i64: 1600, 128>}, {transform_indices = @transform_1, window_bounds = array<i64: 1600, 128>}, {transform_indices = @transform_2, window_bounds = array<i64: 1600, 128>}, {transform_indices = @transform_3, window_bounds = array<i64: 1600, 1>}, {transform_indices = @transform_4, window_bounds = array<i64: 1600, 128>}, {pipeline_mode = #tpu.pipeline_mode<synchronous>, transform_indices = @transform_5, window_bounds = array<i64: 512, 256>}, {pipeline_mode = #tpu.pipeline_mode<synchronous>, transform_indices = @transform_6, window_bounds = array<i64: 1, 256>}, {pipeline_mode = #tpu.pipeline_mode<synchronous>, transform_indices = @transform_7, window_bounds = array<i64: 256, 128>}, {pipeline_mode = #tpu.pipeline_mode<synchronous>, transform_indices = @transform_8, window_bounds = array<i64: 1, 128>}, {pipeline_mode = #tpu.pipeline_mode<synchronous>, transform_indices = @transform_9, window_bounds = array<i64: 128, 128>}, {pipeline_mode = #tpu.pipeline_mode<synchronous>, transform_indices = @transform_10, window_bounds = array<i64: 1, 128>}, {pipeline_mode = #tpu.pipeline_mode<synchronous>, transform_indices = @transform_11, window_bounds = array<i64: 128, 128>}, {pipeline_mode = #tpu.pipeline_mode<synchronous>, transform_indices = @transform_12, window_bounds = array<i64: 1, 128>}, {pipeline_mode = #tpu.pipeline_mode<synchronous>, transform_indices = @transform_13, window_bounds = array<i64: 128, 128>}, {pipeline_mode = #tpu.pipeline_mode<synchronous>, transform_indices = @transform_14, window_bounds = array<i64: 1, 128>}, {pipeline_mode = #tpu.pipeline_mode<synchronous>, transform_indices = @transform_15, window_bounds = array<i64: 256, 256>}, {pipeline_mode = #tpu.pipeline_mode<synchronous>, transform_indices = @transform_16, window_bounds = array<i64: 1, 256>}, {pipeline_mode = #tpu.pipeline_mode<synchronous>, transform_indices = @transform_17, window_bounds = array<i64: 256, 128>}, {pipeline_mode = #tpu.pipeline_mode<synchronous>, transform_indices = @transform_18, window_bounds = array<i64: 1, 128>}, {pipeline_mode = #tpu.pipeline_mode<synchronous>, transform_indices = @transform_19, window_bounds = array<i64: 128, 8>}, {transform_indices = @transform_20, window_bounds = array<i64: 1600, 128>}, {transform_indices = @transform_21, window_bounds = array<i64: 1600, 128>}]} {
    %get3A = arith.constant 0 : index
    %get3A_0 = arith.constant 0 : index
    %get3A_1 = vector.load %arg1[%get3A, %get3A_0] : memref<1600x128xf32, #tpu.memory_space<vmem>>, vector<1600x128xf32>
    %get3A_2 = arith.constant 0 : index
    %get3A_3 = arith.constant 0 : index
    %get3A_4 = vector.load %arg2[%get3A_2, %get3A_3] : memref<1600x128xf32, #tpu.memory_space<vmem>>, vector<1600x128xf32>
    %get3A_5 = arith.constant 0 : index
    %get3A_6 = arith.constant 0 : index
    %get3A_7 = vector.load %arg3[%get3A_5, %get3A_6] : memref<1600x128xf32, #tpu.memory_space<vmem>>, vector<1600x128xf32>
    %get3A_8 = arith.constant 0 : index
    %get3A_9 = arith.constant 0 : index
    %get3A_10 = vector.load %arg4[%get3A_8, %get3A_9] : memref<1600x1xf32, #tpu.memory_space<vmem>>, vector<1600x1xf32>
    %mul3A = vector.broadcast %get3A_10 : vector<1600x1xf32> to vector<1600x128xf32>
    %mul3A_11 = arith.mulf %get3A_7, %mul3A : vector<1600x128xf32>
    %get3A_12 = arith.constant 0 : index
    %get3A_13 = arith.constant 0 : index
    %get3A_14 = vector.load %arg5[%get3A_12, %get3A_13] : memref<1600x128xf32, #tpu.memory_space<vmem>>, vector<1600x128xf32>
    %concatenate3A = tpu.concatenate %get3A_1, %get3A_4, %mul3A_11, %get3A_14 in 1 : vector<1600x128xf32>, vector<1600x128xf32>, vector<1600x128xf32>, vector<1600x128xf32> -> vector<1600x512xf32>
    %get3A_15 = arith.constant 0 : index
    %get3A_16 = arith.constant 0 : index
    %get3A_17 = vector.load %arg6[%get3A_15, %get3A_16] : memref<512x256xf32, #tpu.memory_space<vmem>>, vector<512x256xf32>
    %dot_general3A = arith.constant dense<0.000000e+00> : vector<1600x256xf32>
    %dot_general3A_18 = tpu.matmul %concatenate3A, %get3A_17, %dot_general3A {dimension_numbers = #tpu.dot_dimension_numbers<[1], [0], [0], [1], [0, 0, 1, 1], [], []>, transpose_lhs_hint = false} : vector<1600x512xf32>, vector<512x256xf32>, vector<1600x256xf32> -> vector<1600x256xf32>
    %get3A_19 = arith.constant 0 : index
    %get3A_20 = arith.constant 0 : index
    %get3A_21 = vector.load %arg7[%get3A_19, %get3A_20] : memref<1x256xf32, #tpu.memory_space<vmem>>, vector<1x256xf32>
    %add3A = vector.broadcast %get3A_21 : vector<1x256xf32> to vector<1600x256xf32>
    %add3A_22 = arith.addf %dot_general3A_18, %add3A : vector<1600x256xf32>
    %max3A = arith.constant 0.000000e+00 : f32
    %max3A_23 = vector.broadcast %max3A : f32 to vector<1600x256xf32>
    %max3A_24 = arith.maximumf %add3A_22, %max3A_23 : vector<1600x256xf32>
    %get3A_25 = arith.constant 0 : index
    %get3A_26 = arith.constant 0 : index
    %get3A_27 = vector.load %arg8[%get3A_25, %get3A_26] : memref<256x128xf32, #tpu.memory_space<vmem>>, vector<256x128xf32>
    %dot_general3A_28 = arith.constant dense<0.000000e+00> : vector<1600x128xf32>
    %dot_general3A_29 = tpu.matmul %max3A_24, %get3A_27, %dot_general3A_28 {dimension_numbers = #tpu.dot_dimension_numbers<[1], [0], [0], [1], [0, 0, 1, 1], [], []>, transpose_lhs_hint = false} : vector<1600x256xf32>, vector<256x128xf32>, vector<1600x128xf32> -> vector<1600x128xf32>
    %get3A_30 = arith.constant 0 : index
    %get3A_31 = arith.constant 0 : index
    %get3A_32 = vector.load %arg9[%get3A_30, %get3A_31] : memref<1x128xf32, #tpu.memory_space<vmem>>, vector<1x128xf32>
    %add3A_33 = vector.broadcast %get3A_32 : vector<1x128xf32> to vector<1600x128xf32>
    %add3A_34 = arith.addf %dot_general3A_29, %add3A_33 : vector<1600x128xf32>
    %swap3A = arith.constant 0 : index
    %swap3A_35 = arith.constant 0 : index
    %swap3A_36 = vector.load %arg21[%swap3A, %swap3A_35] : memref<1600x128xf32, #tpu.memory_space<vmem>>, vector<1600x128xf32>
    tpu.vector_store %arg21[%swap3A, %swap3A_35], %add3A_34 {strides = array<i32>} : memref<1600x128xf32, #tpu.memory_space<vmem>>, vector<1600x128xf32>,
    %get3A_37 = arith.constant 0 : index
    %get3A_38 = arith.constant 0 : index
    %get3A_39 = vector.load %arg10[%get3A_37, %get3A_38] : memref<128x128xf32, #tpu.memory_space<vmem>>, vector<128x128xf32>
    %dot_general3A_40 = arith.constant dense<0.000000e+00> : vector<1600x128xf32>
    %dot_general3A_41 = tpu.matmul %get3A_1, %get3A_39, %dot_general3A_40 {dimension_numbers = #tpu.dot_dimension_numbers<[1], [0], [0], [1], [0, 0, 1, 1], [], []>, transpose_lhs_hint = false} : vector<1600x128xf32>, vector<128x128xf32>, vector<1600x128xf32> -> vector<1600x128xf32>
    %get3A_42 = arith.constant 0 : index
    %get3A_43 = arith.constant 0 : index
    %get3A_44 = vector.load %arg11[%get3A_42, %get3A_43] : memref<1x128xf32, #tpu.memory_space<vmem>>, vector<1x128xf32>
    %add3A_45 = vector.broadcast %get3A_44 : vector<1x128xf32> to vector<1600x128xf32>
    %add3A_46 = arith.addf %dot_general3A_41, %add3A_45 : vector<1600x128xf32>
    %get3A_47 = arith.constant 0 : index
    %get3A_48 = arith.constant 0 : index
    %get3A_49 = vector.load %arg12[%get3A_47, %get3A_48] : memref<128x128xf32, #tpu.memory_space<vmem>>, vector<128x128xf32>
    %dot_general3A_50 = arith.constant dense<0.000000e+00> : vector<1600x128xf32>
    %dot_general3A_51 = tpu.matmul %get3A_4, %get3A_49, %dot_general3A_50 {dimension_numbers = #tpu.dot_dimension_numbers<[1], [0], [0], [1], [0, 0, 1, 1], [], []>, transpose_lhs_hint = false} : vector<1600x128xf32>, vector<128x128xf32>, vector<1600x128xf32> -> vector<1600x128xf32>
    %get3A_52 = arith.constant 0 : index
    %get3A_53 = arith.constant 0 : index
    %get3A_54 = vector.load %arg13[%get3A_52, %get3A_53] : memref<1x128xf32, #tpu.memory_space<vmem>>, vector<1x128xf32>
    %add3A_55 = vector.broadcast %get3A_54 : vector<1x128xf32> to vector<1600x128xf32>
    %add3A_56 = arith.addf %dot_general3A_51, %add3A_55 : vector<1600x128xf32>
    %concatenate3A_57 = tpu.concatenate %add3A_46, %add3A_56 in 1 : vector<1600x128xf32>, vector<1600x128xf32> -> vector<1600x256xf32>
    %get3A_58 = arith.constant 0 : index
    %get3A_59 = arith.constant 0 : index
    %get3A_60 = vector.load %arg16[%get3A_58, %get3A_59] : memref<256x256xf32, #tpu.memory_space<vmem>>, vector<256x256xf32>
    %dot_general3A_61 = arith.constant dense<0.000000e+00> : vector<1600x256xf32>
    %dot_general3A_62 = tpu.matmul %concatenate3A_57, %get3A_60, %dot_general3A_61 {dimension_numbers = #tpu.dot_dimension_numbers<[1], [0], [0], [1], [0, 0, 1, 1], [], []>, transpose_lhs_hint = false} : vector<1600x256xf32>, vector<256x256xf32>, vector<1600x256xf32> -> vector<1600x256xf32>
    %get3A_63 = arith.constant 0 : index
    %get3A_64 = arith.constant 0 : index
    %get3A_65 = vector.load %arg17[%get3A_63, %get3A_64] : memref<1x256xf32, #tpu.memory_space<vmem>>, vector<1x256xf32>
    %add3A_66 = vector.broadcast %get3A_65 : vector<1x256xf32> to vector<1600x256xf32>
    %add3A_67 = arith.addf %dot_general3A_62, %add3A_66 : vector<1600x256xf32>
    %max3A_68 = arith.constant 0.000000e+00 : f32
    %max3A_69 = vector.broadcast %max3A_68 : f32 to vector<1600x256xf32>
    %max3A_70 = arith.maximumf %add3A_67, %max3A_69 : vector<1600x256xf32>
    %get3A_71 = arith.constant 0 : index
    %get3A_72 = arith.constant 0 : index
    %get3A_73 = vector.load %arg18[%get3A_71, %get3A_72] : memref<256x128xf32, #tpu.memory_space<vmem>>, vector<256x128xf32>
    %dot_general3A_74 = arith.constant dense<0.000000e+00> : vector<1600x128xf32>
    %dot_general3A_75 = tpu.matmul %max3A_70, %get3A_73, %dot_general3A_74 {dimension_numbers = #tpu.dot_dimension_numbers<[1], [0], [0], [1], [0, 0, 1, 1], [], []>, transpose_lhs_hint = false} : vector<1600x256xf32>, vector<256x128xf32>, vector<1600x128xf32> -> vector<1600x128xf32>
    %get3A_76 = arith.constant 0 : index
    %get3A_77 = arith.constant 0 : index
    %get3A_78 = vector.load %arg19[%get3A_76, %get3A_77] : memref<1x128xf32, #tpu.memory_space<vmem>>, vector<1x128xf32>
    %add3A_79 = vector.broadcast %get3A_78 : vector<1x128xf32> to vector<1600x128xf32>
    %add3A_80 = arith.addf %dot_general3A_75, %add3A_79 : vector<1600x128xf32>
    %reduce_max3A = arith.constant dense<0xFF800000> : vector<1600xf32>
    %reduce_max3A_81 = vector.multi_reduction <maximumf>, %add3A_80, %reduce_max3A [1] : vector<1600x128xf32> to vector<1600xf32>
    %broadcast_in_dim3A = vector.shape_cast %reduce_max3A_81 : vector<1600xf32> to vector<1600x1xf32>
    %sub3A = vector.broadcast %broadcast_in_dim3A : vector<1600x1xf32> to vector<1600x128xf32>
    %sub3A_82 = arith.subf %add3A_80, %sub3A : vector<1600x128xf32>
    %exp3A = math.exp %sub3A_82 : vector<1600x128xf32>
    %get3A_83 = arith.constant 0 : index
    %get3A_84 = arith.constant 0 : index
    %get3A_85 = vector.load %arg20[%get3A_83, %get3A_84] : memref<128x8xf32, #tpu.memory_space<vmem>>, vector<128x8xf32>
    %dot_general3A_86 = arith.constant dense<0.000000e+00> : vector<1600x8xf32>
    %dot_general3A_87 = tpu.matmul %exp3A, %get3A_85, %dot_general3A_86 {dimension_numbers = #tpu.dot_dimension_numbers<[1], [0], [0], [1], [0, 0, 1, 1], [], []>, transpose_lhs_hint = false} : vector<1600x128xf32>, vector<128x8xf32>, vector<1600x8xf32> -> vector<1600x8xf32>
    %concatenate3A_88 = tpu.concatenate %dot_general3A_87, %dot_general3A_87, %dot_general3A_87, %dot_general3A_87, %dot_general3A_87, %dot_general3A_87, %dot_general3A_87, %dot_general3A_87, %dot_general3A_87, %dot_general3A_87, %dot_general3A_87, %dot_general3A_87, %dot_general3A_87, %dot_general3A_87, %dot_general3A_87, %dot_general3A_87 in 1 : vector<1600x8xf32>, vector<1600x8xf32>, vector<1600x8xf32>, vector<1600x8xf32>, vector<1600x8xf32>, vector<1600x8xf32>, vector<1600x8xf32>, vector<1600x8xf32>, vector<1600x8xf32>, vector<1600x8xf32>, vector<1600x8xf32>, vector<1600x8xf32>, vector<1600x8xf32>, vector<1600x8xf32>, vector<1600x8xf32>, vector<1600x8xf32> -> vector<1600x128xf32>
    %get3A_89 = arith.constant 0 : index
    %get3A_90 = arith.constant 0 : index
    %get3A_91 = vector.load %arg14[%get3A_89, %get3A_90] : memref<128x128xf32, #tpu.memory_space<vmem>>, vector<128x128xf32>
    %dot_general3A_92 = arith.constant dense<0.000000e+00> : vector<1600x128xf32>
    %dot_general3A_93 = tpu.matmul %get3A_14, %get3A_91, %dot_general3A_92 {dimension_numbers = #tpu.dot_dimension_numbers<[1], [0], [0], [1], [0, 0, 1, 1], [], []>, transpose_lhs_hint = false} : vector<1600x128xf32>, vector<128x128xf32>, vector<1600x128xf32> -> vector<1600x128xf32>
    %get3A_94 = arith.constant 0 : index
    %get3A_95 = arith.constant 0 : index
    %get3A_96 = vector.load %arg15[%get3A_94, %get3A_95] : memref<1x128xf32, #tpu.memory_space<vmem>>, vector<1x128xf32>
    %add3A_97 = vector.broadcast %get3A_96 : vector<1x128xf32> to vector<1600x128xf32>
    %add3A_98 = arith.addf %dot_general3A_93, %add3A_97 : vector<1600x128xf32>
    %div3A = arith.divf %exp3A, %concatenate3A_88 : vector<1600x128xf32>
    %mul3A_99 = arith.mulf %div3A, %add3A_98 : vector<1600x128xf32>
    %swap3A_100 = arith.constant 0 : index
    %swap3A_101 = arith.constant 0 : index
    %swap3A_102 = vector.load %arg22[%swap3A_100, %swap3A_101] : memref<1600x128xf32, #tpu.memory_space<vmem>>, vector<1600x128xf32>
    tpu.vector_store %arg22[%swap3A_100, %swap3A_101], %mul3A_99 {strides = array<i32>} : memref<1600x128xf32, #tpu.memory_space<vmem>>, vector<1600x128xf32>,
    return
  }
  func.func @transform_0(%arg0: i32) -> (i32, i32) {
    %c0_i32 = arith.constant 0 : i32
    %c0_i32_0 = arith.constant 0 : i32
    return %arg0, %c0_i32 : i32, i32
  }
  func.func @transform_1(%arg0: i32) -> (i32, i32) {
    %c0_i32 = arith.constant 0 : i32
    %c0_i32_0 = arith.constant 0 : i32
    return %arg0, %c0_i32 : i32, i32
  }
  func.func @transform_2(%arg0: i32) -> (i32, i32) {
    %c0_i32 = arith.constant 0 : i32
    %c0_i32_0 = arith.constant 0 : i32
    return %arg0, %c0_i32 : i32, i32
  }
  func.func @transform_3(%arg0: i32) -> (i32, i32) {
    %c0_i32 = arith.constant 0 : i32
    %c0_i32_0 = arith.constant 0 : i32
    return %arg0, %c0_i32 : i32, i32
  }
  func.func @transform_4(%arg0: i32) -> (i32, i32) {
    %c0_i32 = arith.constant 0 : i32
    %c0_i32_0 = arith.constant 0 : i32
    return %arg0, %c0_i32 : i32, i32
  }
  func.func @transform_5(%arg0: i32) -> (i32, i32) {
    %c0_i32 = arith.constant 0 : i32
    %c0_i32_0 = arith.constant 0 : i32
    %c0_i32_1 = arith.constant 0 : i32
    return %c0_i32, %c0_i32_0 : i32, i32
  }
  func.func @transform_6(%arg0: i32) -> (i32, i32) {
    %c0_i32 = arith.constant 0 : i32
    %c0_i32_0 = arith.constant 0 : i32
    %c0_i32_1 = arith.constant 0 : i32
    return %c0_i32, %c0_i32_0 : i32, i32
  }
  func.func @transform_7(%arg0: i32) -> (i32, i32) {
    %c0_i32 = arith.constant 0 : i32
    %c0_i32_0 = arith.constant 0 : i32
    %c0_i32_1 = arith.constant 0 : i32
    return %c0_i32, %c0_i32_0 : i32, i32
  }
  func.func @transform_8(%arg0: i32) -> (i32, i32) {
    %c0_i32 = arith.constant 0 : i32
    %c0_i32_0 = arith.constant 0 : i32
    %c0_i32_1 = arith.constant 0 : i32
    return %c0_i32, %c0_i32_0 : i32, i32
  }
  func.func @transform_9(%arg0: i32) -> (i32, i32) {
    %c0_i32 = arith.constant 0 : i32
    %c0_i32_0 = arith.constant 0 : i32
    %c0_i32_1 = arith.constant 0 : i32
    return %c0_i32, %c0_i32_0 : i32, i32
  }
  func.func @transform_10(%arg0: i32) -> (i32, i32) {
    %c0_i32 = arith.constant 0 : i32
    %c0_i32_0 = arith.constant 0 : i32
    %c0_i32_1 = arith.constant 0 : i32
    return %c0_i32, %c0_i32_0 : i32, i32
  }
  func.func @transform_11(%arg0: i32) -> (i32, i32) {
    %c0_i32 = arith.constant 0 : i32
    %c0_i32_0 = arith.constant 0 : i32
    %c0_i32_1 = arith.constant 0 : i32
    return %c0_i32, %c0_i32_0 : i32, i32
  }
  func.func @transform_12(%arg0: i32) -> (i32, i32) {
    %c0_i32 = arith.constant 0 : i32
    %c0_i32_0 = arith.constant 0 : i32
    %c0_i32_1 = arith.constant 0 : i32
    return %c0_i32, %c0_i32_0 : i32, i32
  }
  func.func @transform_13(%arg0: i32) -> (i32, i32) {
    %c0_i32 = arith.constant 0 : i32
    %c0_i32_0 = arith.constant 0 : i32
    %c0_i32_1 = arith.constant 0 : i32
    return %c0_i32, %c0_i32_0 : i32, i32
  }
  func.func @transform_14(%arg0: i32) -> (i32, i32) {
    %c0_i32 = arith.constant 0 : i32
    %c0_i32_0 = arith.constant 0 : i32
    %c0_i32_1 = arith.constant 0 : i32
    return %c0_i32, %c0_i32_0 : i32, i32
  }
  func.func @transform_15(%arg0: i32) -> (i32, i32) {
    %c0_i32 = arith.constant 0 : i32
    %c0_i32_0 = arith.constant 0 : i32
    %c0_i32_1 = arith.constant 0 : i32
    return %c0_i32, %c0_i32_0 : i32, i32
  }
  func.func @transform_16(%arg0: i32) -> (i32, i32) {
    %c0_i32 = arith.constant 0 : i32
    %c0_i32_0 = arith.constant 0 : i32
    %c0_i32_1 = arith.constant 0 : i32
    return %c0_i32, %c0_i32_0 : i32, i32
  }
  func.func @transform_17(%arg0: i32) -> (i32, i32) {
    %c0_i32 = arith.constant 0 : i32
    %c0_i32_0 = arith.constant 0 : i32
    %c0_i32_1 = arith.constant 0 : i32
    return %c0_i32, %c0_i32_0 : i32, i32
  }
  func.func @transform_18(%arg0: i32) -> (i32, i32) {
    %c0_i32 = arith.constant 0 : i32
    %c0_i32_0 = arith.constant 0 : i32
    %c0_i32_1 = arith.constant 0 : i32
    return %c0_i32, %c0_i32_0 : i32, i32
  }
  func.func @transform_19(%arg0: i32) -> (i32, i32) {
    %c0_i32 = arith.constant 0 : i32
    %c0_i32_0 = arith.constant 0 : i32
    %c0_i32_1 = arith.constant 0 : i32
    return %c0_i32, %c0_i32_0 : i32, i32
  }
  func.func @transform_20(%arg0: i32) -> (i32, i32) {
    %c0_i32 = arith.constant 0 : i32
    %c0_i32_0 = arith.constant 0 : i32
    return %arg0, %c0_i32 : i32, i32
  }
  func.func @transform_21(%arg0: i32) -> (i32, i32) {
    %c0_i32 = arith.constant 0 : i32
    %c0_i32_0 = arith.constant 0 : i32
    return %arg0, %c0_i32 : i32, i32
  }
}

module attributes {stable_mosaic.version = 14 : i64} {
  func.func @_node_body(%arg0: i32, %arg1: memref<2000x128xf32, #tpu.memory_space<vmem>>, %arg2: memref<2000x128xf32, #tpu.memory_space<vmem>>, %arg3: memref<256x256xf32, #tpu.memory_space<vmem>>, %arg4: memref<1x256xf32, #tpu.memory_space<vmem>>, %arg5: memref<256x128xf32, #tpu.memory_space<vmem>>, %arg6: memref<1x128xf32, #tpu.memory_space<vmem>>, %arg7: memref<2000x128xf32, #tpu.memory_space<vmem>>) attributes {dimension_semantics = [#tpu.dimension_semantics<arbitrary>], iteration_bounds = array<i64: 5>, scalar_prefetch = 0 : i64, scratch_operands = 0 : i64, tpu.core_type = #tpu.core_type<tc>, window_params = [{transform_indices = @transform_0, window_bounds = array<i64: 2000, 128>}, {transform_indices = @transform_1, window_bounds = array<i64: 2000, 128>}, {pipeline_mode = #tpu.pipeline_mode<synchronous>, transform_indices = @transform_2, window_bounds = array<i64: 256, 256>}, {pipeline_mode = #tpu.pipeline_mode<synchronous>, transform_indices = @transform_3, window_bounds = array<i64: 1, 256>}, {pipeline_mode = #tpu.pipeline_mode<synchronous>, transform_indices = @transform_4, window_bounds = array<i64: 256, 128>}, {pipeline_mode = #tpu.pipeline_mode<synchronous>, transform_indices = @transform_5, window_bounds = array<i64: 1, 128>}, {transform_indices = @transform_6, window_bounds = array<i64: 2000, 128>}]} {
    %get3A = arith.constant 0 : index
    %get3A_0 = arith.constant 0 : index
    %get3A_1 = vector.load %arg2[%get3A, %get3A_0] : memref<2000x128xf32, #tpu.memory_space<vmem>>, vector<2000x128xf32>
    %eq3A = arith.constant 0xFF800000 : f32
    %eq3A_2 = vector.broadcast %eq3A : f32 to vector<2000x128xf32>
    %eq3A_3 = arith.cmpf oeq, %get3A_1, %eq3A_2 : vector<2000x128xf32>
    %jit3A = arith.constant 0.000000e+00 : f32
    %broadcast_in_dim3A = vector.broadcast %jit3A : f32 to vector<2000x128xf32>
    %select_n3A = arith.select %eq3A_3, %broadcast_in_dim3A, %get3A_1 : vector<2000x128xi1>, vector<2000x128xf32>
    %get3A_4 = arith.constant 0 : index
    %get3A_5 = arith.constant 0 : index
    %get3A_6 = vector.load %arg1[%get3A_4, %get3A_5] : memref<2000x128xf32, #tpu.memory_space<vmem>>, vector<2000x128xf32>
    %concatenate3A = tpu.concatenate %get3A_6, %select_n3A in 1 : vector<2000x128xf32>, vector<2000x128xf32> -> vector<2000x256xf32>
    %get3A_7 = arith.constant 0 : index
    %get3A_8 = arith.constant 0 : index
    %get3A_9 = vector.load %arg3[%get3A_7, %get3A_8] : memref<256x256xf32, #tpu.memory_space<vmem>>, vector<256x256xf32>
    %dot_general3A = arith.constant dense<0.000000e+00> : vector<2000x256xf32>
    %dot_general3A_10 = tpu.matmul %concatenate3A, %get3A_9, %dot_general3A {dimension_numbers = #tpu.dot_dimension_numbers<[1], [0], [0], [1], [0, 0, 1, 1], [], []>, transpose_lhs_hint = false} : vector<2000x256xf32>, vector<256x256xf32>, vector<2000x256xf32> -> vector<2000x256xf32>
    %get3A_11 = arith.constant 0 : index
    %get3A_12 = arith.constant 0 : index
    %get3A_13 = vector.load %arg4[%get3A_11, %get3A_12] : memref<1x256xf32, #tpu.memory_space<vmem>>, vector<1x256xf32>
    %add3A = vector.broadcast %get3A_13 : vector<1x256xf32> to vector<2000x256xf32>
    %add3A_14 = arith.addf %dot_general3A_10, %add3A : vector<2000x256xf32>
    %max3A = arith.constant 0.000000e+00 : f32
    %max3A_15 = vector.broadcast %max3A : f32 to vector<2000x256xf32>
    %max3A_16 = arith.maximumf %add3A_14, %max3A_15 : vector<2000x256xf32>
    %get3A_17 = arith.constant 0 : index
    %get3A_18 = arith.constant 0 : index
    %get3A_19 = vector.load %arg5[%get3A_17, %get3A_18] : memref<256x128xf32, #tpu.memory_space<vmem>>, vector<256x128xf32>
    %dot_general3A_20 = arith.constant dense<0.000000e+00> : vector<2000x128xf32>
    %dot_general3A_21 = tpu.matmul %max3A_16, %get3A_19, %dot_general3A_20 {dimension_numbers = #tpu.dot_dimension_numbers<[1], [0], [0], [1], [0, 0, 1, 1], [], []>, transpose_lhs_hint = false} : vector<2000x256xf32>, vector<256x128xf32>, vector<2000x128xf32> -> vector<2000x128xf32>
    %get3A_22 = arith.constant 0 : index
    %get3A_23 = arith.constant 0 : index
    %get3A_24 = vector.load %arg6[%get3A_22, %get3A_23] : memref<1x128xf32, #tpu.memory_space<vmem>>, vector<1x128xf32>
    %add3A_25 = vector.broadcast %get3A_24 : vector<1x128xf32> to vector<2000x128xf32>
    %add3A_26 = arith.addf %dot_general3A_21, %add3A_25 : vector<2000x128xf32>
    %swap3A = arith.constant 0 : index
    %swap3A_27 = arith.constant 0 : index
    %swap3A_28 = vector.load %arg7[%swap3A, %swap3A_27] : memref<2000x128xf32, #tpu.memory_space<vmem>>, vector<2000x128xf32>
    tpu.vector_store %arg7[%swap3A, %swap3A_27], %add3A_26 {strides = array<i32>} : memref<2000x128xf32, #tpu.memory_space<vmem>>, vector<2000x128xf32>,
    return
  }
  func.func @transform_0(%arg0: i32) -> (i32, i32) {
    %c0_i32 = arith.constant 0 : i32
    %c0_i32_0 = arith.constant 0 : i32
    return %arg0, %c0_i32 : i32, i32
  }
  func.func @transform_1(%arg0: i32) -> (i32, i32) {
    %c0_i32 = arith.constant 0 : i32
    %c0_i32_0 = arith.constant 0 : i32
    return %arg0, %c0_i32 : i32, i32
  }
  func.func @transform_2(%arg0: i32) -> (i32, i32) {
    %c0_i32 = arith.constant 0 : i32
    %c0_i32_0 = arith.constant 0 : i32
    %c0_i32_1 = arith.constant 0 : i32
    return %c0_i32, %c0_i32_0 : i32, i32
  }
  func.func @transform_3(%arg0: i32) -> (i32, i32) {
    %c0_i32 = arith.constant 0 : i32
    %c0_i32_0 = arith.constant 0 : i32
    %c0_i32_1 = arith.constant 0 : i32
    return %c0_i32, %c0_i32_0 : i32, i32
  }
  func.func @transform_4(%arg0: i32) -> (i32, i32) {
    %c0_i32 = arith.constant 0 : i32
    %c0_i32_0 = arith.constant 0 : i32
    %c0_i32_1 = arith.constant 0 : i32
    return %c0_i32, %c0_i32_0 : i32, i32
  }
  func.func @transform_5(%arg0: i32) -> (i32, i32) {
    %c0_i32 = arith.constant 0 : i32
    %c0_i32_0 = arith.constant 0 : i32
    %c0_i32_1 = arith.constant 0 : i32
    return %c0_i32, %c0_i32_0 : i32, i32
  }
  func.func @transform_6(%arg0: i32) -> (i32, i32) {
    %c0_i32 = arith.constant 0 : i32
    %c0_i32_0 = arith.constant 0 : i32
    return %arg0, %c0_i32 : i32, i32
  }
}

</mosaic_0001>

<sc_bundles>
// kernel: gather_offload_async_start.1
scs
__scs_entry_jumppad:
0x0: {  	(pc) =	sbr.rel $0x88, $3  }
0x1: {  	(tag) =	ssettag $0x0;
	lr =	simm.s32 $0x1  }
0x2: {  	[smem:$0x3F8C] =	sst lr;
	_ =	strace $0xD0000000  }
0x3: {  	_ = 	snop  }
0x4: {  	_ = 	snop  }
0x5: {  	_ = 	snop  }
0x6: {  	_ = 	snop  }
0x7: {  	_ = 	snop  }
__scs_overlays_trampoline_lowered:
0x8: {  	[smem:$0x3F9B] =	sst s0  }
0x9: {  	[smem:$0x3F9C] =	sst s1  }
0xa: {  	[smem:$0x3F9D] =	sst s2  }
0xb: {  	[smem:$0x3F9E] =	sst s3  }
0xc: {  	[smem:$0x3F9F] =	sst s4  }
0xd: {  	[smem:$0x3FA0] =	sst s5  }
0xe: {  	[smem:$0x3FA1] =	sst s6  }
0xf: {  	[smem:$0x3FA2] =	sst s7  }
0x10: {  	[smem:$0x3FA3] =	sst s8  }
0x11: {  	[smem:$0x3FA4] =	sst s9;
	s0 =	simm.s32 @!p0 $0x0  }
0x12: {  	s1 =	sld [smem:$0x3F8A];
	s0 =	simm.s32 @p0 $0x1  }
0x13: {  	[smem:$0x3FA5] =	sst s0;
	s0 =	simm.s32 @!p1 $0x0  }
0x14: {  	s2 =	sld [smem:$0x3F89];
	s0 =	simm.s32 @p1 $0x1  }
0x15: {  	[smem:$0x3FA6] =	sst s0;
	s0 =	simm.s32 @!p2 $0x0  }
0x16: {  	s3 =	sld [smem:$0x3FDB];
	s0 =	simm.s32 @p2 $0x1  }
0x17: {  	s4 =	simm.s32 $0x1BF5;
	[smem:$0x3FA8] =	sst s0  }
0x18: {  	s0 =	sld [smem:$0x3F8B];
	_ =	swait.ge [sflag:s4], $0x0  }
0x19: {  	s7 =	sld [smem:$0x3F8C]  }
0x1a: {  	s8 =	sadd.s32 $0xFFFFE003, lr  }
0x1b: {  	s9 =	sadd.s32 $0xFFFFFEF7, lr;
	s5 =	simm.s32 $0xFFFFFFFF;
	p2 =	slt.u32 s8, $0xFFFFF086  }
0x1c: {  	p1 =	slt.u32 s9, $0xF7A;
	s5 =	simm.s32 @!p2 $0x0  }
0x1d: {  	s5 =	simm.s32 @p1 $0x1;
	p0 =	seq.s32 s7, s2  }
0x1e: {  	s7 =	smul.u32 @!p0 $0xF7A, s2;
	p2 =	seq.s32 @!p0 s5, $0x0  }
0x1f: {  	s9 =	smul.u32 $0xF7A, s1;
	s8 =	simm.s32 @!p0 $0x1BF5;
	p2 =	por !p2, p0  }
0x20: {  	[sflag:s8] =	ssyncset.s32 @!p0 $0xFFFFF086;
	s6 =	sadd.s32 @!p0 s3, s7;
	s7 =	simm.s32 @!p0 $0x108  }
0x21: {  	s3 =	sadd.s32 s3, s9;
	s6 =	sadd.s32 @!p0 $0x88, s6;
	s7 =	simm.s32 @p2 $0x1082  }
0x22: {  	[simem:s7], [sflag:s8] =	dma.local @!p0 [hbm:s6], $0xF7A  }
0x23: {  	s9 =	sor.u32 $0xD0000000, s2;
	s6 =	simm.s32 $0x108;
	_ =	swait.ge @!p0 [sflag:s8], $0x0  }
0x24: {  	s3 =	sadd.s32 $0x88, s3;
	s6 =	simm.s32 @!p1 $0x1082;
	[sflag:s4] =	ssyncset.s32 $0xFFFFF086  }
0x25: {  	[simem:s6], [sflag:s4] =	dma.local [hbm:s3], $0xF7A  }
0x26: {  	[smem:$0x3F8C] =	sst s1;
	(tag) =	ssettag s2;
	_ =	strace s9  }
0x27: {  	s1 =	sld [smem:$0x3F9C]  }
0x28: {  	s2 =	sld [smem:$0x3F9D]  }
0x29: {  	s4 =	sld [smem:$0x3F9F]  }
0x2a: {  	p0 =	seq.s32 s5, $0x0;
	s5 =	sld [smem:$0x3FA0]  }
0x2b: {  	s6 =	sld [smem:$0x3FA1]  }
0x2c: {  	s7 =	sld [smem:$0x3FA2]  }
0x2d: {  	s3 =	simm.s32 $0x108;
	s8 =	sld [smem:$0x3FA3]  }
0x2e: {  	s3 =	simm.s32 @!p0 $0x1082;
	s9 =	sld [smem:$0x3FA4]  }
0x2f: {  	lr =	sadd.s32 s0, s3;
	s0 =	sld [smem:$0x3F9B]  }
0x30: {  	s3 =	sld [smem:$0x3F9E]  }
0x31: {  	[smem:$0x3FA7] =	sst s10  }
0x32: {  	s10 =	sld [smem:$0x3FA5];
	_ =	sdelay $0x3  }
0x33: {  	p0 =	seq.s32 s10, $0x1;
	s10 =	sld [smem:$0x3FA7];
	_ =	sdelay $0x3  }
0x34: {  	[smem:$0x3FA7] =	sst s10  }
0x35: {  	s10 =	sld [smem:$0x3FA6];
	_ =	sdelay $0x3  }
0x36: {  	p1 =	seq.s32 s10, $0x1;
	s10 =	sld [smem:$0x3FA7];
	_ =	sdelay $0x3  }
0x37: {  	[smem:$0x3FA7] =	sst s10  }
0x38: {  	s10 =	sld [smem:$0x3FA8]  }
0x39: {  	_ = 	snop;
	(pc) =	sbr.ind lr, $3  }
0x3a: {  	_ = 	snop  }
0x3b: {  	_ = 	snop  }
0x3c: {  	p2 =	seq.s32 s10, $0x1;
	s10 =	sld [smem:$0x3FA7]  }
0x3d: {  	_ =	shalt  }
0x3e: {  	_ =	shalt  }
0x3f: {  	_ =	shalt  }
0x40: {  	_ =	shalt  }
0x41: {  	_ =	shalt  }
0x42: {  	_ =	shalt  }
0x43: {  	_ =	shalt  }
0x44: {  	_ =	shalt  }
0x45: {  	_ =	shalt  }
0x46: {  	_ =	shalt  }
0x47: {  	_ =	shalt  }
0x48: {  	_ =	shalt  }
0x49: {  	_ =	shalt  }
0x4a: {  	_ =	shalt  }
0x4b: {  	_ =	shalt  }
0x4c: {  	_ =	shalt  }
0x4d: {  	_ =	shalt  }
0x4e: {  	_ =	shalt  }
0x4f: {  	_ =	shalt  }
0x50: {  	_ =	shalt  }
0x51: {  	_ =	shalt  }
0x52: {  	_ =	shalt  }
0x53: {  	_ =	shalt  }
0x54: {  	_ =	shalt  }
0x55: {  	_ =	shalt  }
0x56: {  	_ =	shalt  }
0x57: {  	_ =	shalt  }
0x58: {  	_ =	shalt  }
0x59: {  	_ =	shalt  }
0x5a: {  	_ =	shalt  }
0x5b: {  	_ =	shalt  }
0x5c: {  	_ =	shalt  }
0x5d: {  	_ =	shalt  }
0x5e: {  	_ =	shalt  }
0x5f: {  	_ =	shalt  }
0x60: {  	_ =	shalt  }
0x61: {  	_ =	shalt  }
0x62: {  	_ =	shalt  }
0x63: {  	_ =	shalt  }
0x64: {  	_ =	shalt  }
0x65: {  	_ =	shalt  }
0x66: {  	_ =	shalt  }
0x67: {  	_ =	shalt  }
0x68: {  	_ =	shalt  }
0x69: {  	_ =	shalt  }
0x6a: {  	_ =	shalt  }
0x6b: {  	_ =	shalt  }
0x6c: {  	_ =	shalt  }
0x6d: {  	_ =	shalt  }
0x6e: {  	_ =	shalt  }
0x6f: {  	_ =	shalt  }
0x70: {  	_ =	shalt  }
0x71: {  	_ =	shalt  }
0x72: {  	_ =	shalt  }
0x73: {  	_ =	shalt  }
0x74: {  	_ =	shalt  }
0x75: {  	_ =	shalt  }
0x76: {  	_ =	shalt  }
0x77: {  	_ =	shalt  }
0x78: {  	_ =	shalt  }
0x79: {  	_ =	shalt  }
0x7a: {  	_ =	shalt  }
0x7b: {  	_ =	shalt  }
0x7c: {  	_ =	shalt  }
0x7d: {  	_ =	shalt  }
0x7e: {  	_ =	shalt  }
0x7f: {  	_ =	shalt  }
0x80: {  	_ =	shalt  }
0x81: {  	_ =	shalt  }
0x82: {  	_ =	shalt  }
0x83: {  	_ =	shalt  }
0x84: {  	_ =	shalt  }
0x85: {  	_ =	shalt  }
0x86: {  	_ =	shalt  }
0x87: {  	_ =	shalt  }
.Lfunc_end0:
.L_simem_size_0:
called_computation.2_lowered:
.L_overlay_start_0:
0x88: {  	s2 =	sld [smem:$0x3FD9]  }
0x89: {  	s3 =	sld [smem:$0x3FFE];
	_ =	sdelay $0x1  }
0x8a: {  	s1 =	srdreg.scid  }
0x8b: {  	s0 =	sand.u32 $0x1, s1  }
0x8c: {  	s14 =	sshll.u32 s0, $0xA;
	s2 =	sadd.s32 s3, s2  }
0x8d: {  	s2 =	sadd.s32 s2, s14  }
0x8e: {  	[smem:$0x3FB3] =	sst s2  }
0x8f: {  	_ = 	snop  }
0x90: {  	s2 =	sld [smem:$0x3FD0];
	_ =	sdelay $0x2  }
0x91: {  	s15 =	simm.s32 $0xA;
	s4 =	simm.s32 $0x10  }
0x92: {  	[smem:s4], [sflag:s15] =	dma.local [hbm:s2], $0x1  }
0x93: {  	_ =	swait.eq [sflag:s15], $0x1  }
0x94: {  	[sflag:s15] =	ssyncset.done $0x0  }
0x95: {  	[sflag:s15] =	ssyncadd.s32 $0xFFFFFFFF  }
0x96: {  	s16 =	sld [smem:$0x11];
	(tm) =	ssettm $0x1  }
0x97: {  	s17 =	sld [smem:$0x3FFB];
	_ =	sdelay $0x3  }
0x98: {  	_ =	strace s17  }
0x99: {  	s3 =	sld [smem:$0x3FFC];
	_ =	sdelay $0x3  }
0x9a: {  	_ =	strace s3  }
0x9b: {  	s3 =	sld [smem:$0x3FFD];
	_ =	sdelay $0x3  }
0x9c: {  	_ =	strace s3  }
0x9d: {  	_ =	strace $0x8FFFFFFF  }
0x9e: {  	s18 =	sld [smem:$0x3FDB];
	_ =	sdelay $0x1  }
0x9f: {  	s19 =	simm.s32 $_scs_section_size  }
0xa0: {  	s5 =	simm.s32 $_size__tile_overlayer_lowered;
	s6 =	simm.s32 $_tile_overlayer_lowered  }
0xa1: {  	s22 =	simm.s32 $0x1BFF;
	s21 =	sshll.u32 s6, $0x1;
	s3 =	sadd.s32 s19, s18  }
0xa2: {  	s7 =	simm.s32 $0x0;
	s20 =	sshll.u32 s5, $0x1;
	s5 =	sadd.s32 s21, s3  }
0xa3: {  	[timem:s7], [sflag:s22] =	dma.local [hbm:s5], s20  }
0xa4: {  	_ =	swait.ge [sflag:s22], s20  }
0xa5: {  	s4 =	ssub.s32 $0x0, s20;
	[sflag:s22] =	ssyncset.done $0x0  }
0xa6: {  	[sflag:s22] =	ssyncadd.s32 s4;
	_ =	sdelay $0x1  }
0xa7: {  	s23 =	simm.s32 $0x1B8B  }
0xa8: {  	_ =	swait.ge [sflag:s23], $0x1  }
0xa9: {  	[sflag:s23] =	ssyncset.done $0x0  }
0xaa: {  	s25 =	simm.s32 $0x1B8E;
	s24 =	sld [smem:$0x3FFE];
	[sflag:s23] =	ssyncadd.s32 $0xFFFFFFFF  }
0xab: {  	s26 =	simm.s32 $execute0_lowered;
	[smem:$0x3FD2] =	sst s25  }
0xac: {  	s5 =	sshll.u32 s26, $0x1;
	_ =	strace $0x80000046;
	[dreg:$0x1] =	wrdreg $0xFFFFFFFF  }
0xad: {  	s28 =	simm.s32 $_size_execute0_lowered;
	s3 =	sadd.s32 s3, s5;
	[dreg:$0x0] =	wrdreg $0x0  }
0xae: {  	s5 =	sshll.u32 s28, $0x1;
	[dreg:$0x2] =	wrdreg s3  }
0xaf: {  	[dreg:$0x3] =	wrdreg s5  }
0xb0: {  	[dreg:$0x4] =	wrdreg $0xC0  }
0xb1: {  	_ =	task [dreg:s7], $0x5FFFF  }
0xb2: {  	[dreg:$0x1] =	wrdreg $0xFFFFFFFF  }
0xb3: {  	[dreg:$0x0] =	wrdreg $0x60  }
0xb4: {  	[dreg:$0x2] =	wrdreg s16  }
0xb5: {  	[dreg:$0x3] =	wrdreg s24  }
0xb6: {  	[dreg:$0x4] =	wrdreg $0x9  }
0xb7: {  	_ =	task.clear_ibuf [dreg:s7], $0x5FFFF;
	_ =	strace $0x90000046  }
0xb8: {  	s29 =	simm.s32 $0x9;
	_ =	strace $0x80000048  }
0xb9: {  	_ =	swait.ge [sflag:s29], $0x1  }
0xba: {  	[sflag:s29] =	ssyncadd.s32 $0xFFFFFFFF  }
0xbb: {  	_ =	strace $0x90000048  }
0xbc: {  	_ =	sfence  }
0xbd: {  	s30 =	sld [smem:$0x0];
	_ =	sdelay $0x2  }
0xbe: {  	s31 =	sshll.u32 s1, $0xD;
	s1 =	sshrl.u32 s1, $0x2  }
0xbf: {  	s3 =	sand.u32 $0x4000, s31;
	s1 =	sadd.s32 s1, s30  }
0xc0: {  	s0 =	sor.u32 s3, s0;
	s1 =	sshll.u32 s1, $0x11  }
0xc1: {  	s0 =	sor.u32 s1, s0  }
0xc2: {  	s0 =	sadd.s32 $0x8F2B, s0  }
0xc3: {  	[sflag:s0] =	ssyncadd.remote.s32 $0x1  }
0xc4: {  	_ =	sfence.sel $0xFFFF  }
0xc5: {  	[dreg:$0x0] =	wrdreg $0xFFFFFFFF;
	(pc) =	sbr.abs _section_cstart, $3  }
0xc6: {  	[dreg:$0x1] =	wrdreg $0xFFFFFFFF  }
0xc7: {  	_ =	task.clear_ibuf [dreg:s7], $0x2FFFF;
	_ =	strace $0x9FFFFFFF  }
0xc8: {  	(tm) =	ssettm $0x7FFFFFFF  }
0xc9: {  	_ =	shalt  }
tec
execute0_lowered:
.L_overlay_start_1:
0x0: {  	(tag) =	ssettag $0x1  }
0x1: {  	s0 =	srdreg.scid  }
0x2: {  	s1 =	sshll.u32 s0, $0x4  }
0x3: {  	s0 =	stileid.u32;
	s1 =	sand.u32 $0x10, s1  }
0x4: {  	s2 =	sor.u32 s0, s1  }
0x5: {  	s1 =	smul.u32 $0xF, s2  }
0x6: {  	s3 =	smin.u32 s2, $0x14  }
0x7: {  	s1 =	sadd.s32 s3, s1  }
0x8: {  	p0 =	slt.u32 s2, $0x14;
	s2 =	simm.s32 $0x1400;
	s1 =	smul.u32 $0x140, s1  }
0x9: {  	s2 =	simm.s32 @!p0 $0x12C0  }
0xa: {  	s2 =	sadd.s32 s2, s1  }
0xb: {  	s3 =	smin.u32 s2, $0x27100  }
0xc: {  	s7 =	ssub.s32 s3, s1  }
0xd: {  	p0 =	sgt.s32 s7, $0x0  }
0xe: {  	s7 =	simm.s32 @!p0 $0x0  }
0xf: {  	s4 =	rddreg [dreg:$0x0];
	s31 =	smulhi.u32 $0x66666667, s7  }
0x10: {  	s9 =	rddreg [dreg:$0x1];
	s6 =	simm.s32 $0x1  }
0x11: {  	s11 =	simm.s32 $0x3;
	s13 =	simm.s32 $0x0;
	s8 =	sshrl.u32 s31, $0x7  }
0x12: {  	s12 =	simm.s32 $0x0;
	s5 =	sadd.s32 $0x2400, s9;
	s10 =	smul.u32 $0x140, s8  }
.Ltmp0:
0x13: {  	s9 =	sadd.s32 $0xC400, s9;
	s2 =	rddreg [dreg:$0x2];
	(pc) =	sbr.rel .LBB2_1-.Ltmp0, $4  }
0x14: {  	_ =	strace $0x80000047;
	p0 =	sne.s32 s7, s10;
	s10 =	simm.s32 $0x1  }
0x15: {  	[sflag:s6] =	ssyncpa.u1 $0x0;
	s7 =	simm.s32 $0x2;
	s10 =	simm.s32 @!p0 $0x0  }
0x16: {  	[sflag:s7] =	ssyncpa.u1 $0x0;
	p0 =	por $0x0, $0x0;
	s8 =	sadd.s32 s10, s8  }
0x17: {  	vm0 =	vmmov $0xff;
	vm1 =	vcmask $0x3F20;
	[sflag:s11] =	ssyncpa.u1 $0x0;
	s11 =	smov.u32 s1;
	s10 =	sadd.s32 $0x1, s8  }
.LBB2_6:
0x18: {  	[hbm:s17] =	stream.linear.scatter [tilespmem:s14], [sflag:$0x3], $0x400, $0x38;
	[tilespmem:$0x14280] =	vst v63  }
.LBB2_7:
0x19: {  	s13 =	sadd.s32 $0x140, s11  }
0x1a: {  	s15 =	smov.u32 s1;
	p2 =	slt.s32 s13, s3  }
0x1b: {  	s15 =	smov.u32 @p2 s13;
	p2 =	sne.s32 s12, s10  }
.Ltmp1:
0x1c: {  	p1 =	slt.u32 s12, $0x2;
	(pc) =	sbr.rel @!p2 .LBB2_8-.Ltmp1, $4  }
0x1d: {  	s14 =	simm.s32 @!p1 $0x3  }
0x1e: {  	s16 =	sadd.s32 $0x1, s12;
	_ =	swait.ge @!p1 [sflag:s14], $0xA000  }
0x1f: {  	p0 =	por !p0, !p0;
	s13 =	smov.u32 s11;
	[sflag:s14] =	ssyncset.done @!p1 $0x0  }
0x20: {  	s12 =	smov.u32 s16;
	s11 =	smov.u32 s15;
	[sflag:s14] =	ssyncadd.s32 @!p1 $0xFFFF6000  }
.LBB2_1:
0x21: {  	p1 =	sge.u32 s12, s8  }
0x22: {  	s14 =	sxor.u32 @!p1 $0xFFFFFFFF, s12  }
0x23: {  	s14 =	sand.u32 @!p1 $0x1, s14  }
0x24: {  	s14 =	smul.u32 @!p1 $0x500, s14  }
0x25: {  	s31 =	sadd.s32 $0xFFFFFFFF, s12;
	s15 =	sshrl.u32 @!p1 s11, $0x3  }
0x26: {  	s16 =	sand.u32 @!p1 $0x7, s11;
	s15 =	sadd.s32 @!p1 s5, s15;
	s14 =	sshrl.u32 @!p1 s14, $0x2  }
0x27: {  	[tilespmem:s14], [sflag:$0x2] =	stream.linear.gather @!p1 [hbm4b:s15+s16], $0x140, $0x38;
	[tilespmem:$0x14280] =	vst v63  }
0x28: {  	p1 =	sge.u32 s31, s8  }
.Ltmp2:
0x29: {  	_ = 	snop;
	(pc) =	sbr.rel @p1 .LBB2_7-.Ltmp2, $1  }
0x2a: {  	_ =	sdelay $0x3  }
0x2b: {  	s14 =	simm.s32 $0x1  }
0x2c: {  	s14 =	simm.s32 @!p0 $0x0  }
0x2d: {  	s15 =	smul.u32 $0x500, s14  }
0x2e: {  	_ =	swait.ge [sflag:s7], $0x140  }
0x2f: {  	[sflag:s7] =	ssyncset.done $0x0;
	s16 =	sshrl.u32 s15, $0x2  }
0x30: {  	[sflag:s7] =	ssyncadd.s32 $0xFFFFFEC0;
	s15 =	sadd.s32 $0x0, s16  }
0x31: {  	v0 =	vld.msk [tilespmem:s15+$0x0 ss:$0x1], $0xffff;
	_ =	sdelay $0x4  }
0x32: {  	vm2 =	vgt.s32 v0, $0x0  }
0x33: {  	v0 =	vnsel vm2, $0x0, v0  }
0x34: {  	v0 =	vmin.u32 v0, $0x270FF  }
0x35: {  	v0 =	vshll.u32 v0, $0x4  }
0x36: {  	s14 =	smul.u32 $0x28000, s14;
	_ =	sdelay $0x1  }
0x37: {  	s14 =	sshrl.u32 s14, $0x2  }
0x38: {  	s14 =	sor.u32 $0x280, s14  }
0x39: {  	[tilespmem:s14], [sflag:$0x1] =	stream.indirect_vreg.gather [hbm:s4], $0x80, v0, vm0, $0x38;
	[tilespmem:$0x14280] =	vst v63  }
0x3a: {  	s17 =	sadd.s32 $0x10, s16;
	s15 =	sadd.s32 $0x400, s14  }
0x3b: {  	[tilespmem:s15], [sflag:$0x1] =	stream.indirect_vreg.gather [hbm:s4], $0x80, v0, vm1, $0x38;
	[tilespmem:$0x14280] =	vst v63  }
0x3c: {  	s18 =	simm.s32 $0x80;
	v0 =	vld.msk [tilespmem:s17+$0x0 ss:$0x1], $0xffff;
	s17 =	smov.u32 s14  }
.LBB2_3:
0x3d: {  	p1 =	sne.s32 s18, $0x4C0;
	_ =	sdelay $0x4  }
0x3e: {  	vm2 =	vgt.s32 v0, $0x0  }
0x3f: {  	v0 =	vnsel vm2, $0x0, v0  }
0x40: {  	v0 =	vmin.u32 v0, $0x270FF  }
0x41: {  	v0 =	vshll.u32 v0, $0x4;
	_ =	sdelay $0x3  }
.Ltmp3:
0x42: {  	s19 =	sshra.s32 s18, $0x2;
	s17 =	sadd.s32 $0x800, s17;
	(pc) =	sbr.rel @p1 .LBB2_3-.Ltmp3, $4  }
0x43: {  	[tilespmem:s17], [sflag:$0x1] =	stream.indirect_vreg.gather [hbm:s4], $0x80, v0, vm0, $0x38;
	[tilespmem:$0x14280] =	vst v63  }
0x44: {  	s19 =	sadd.s32 s19, s16;
	s20 =	sadd.s32 $0x400, s17  }
0x45: {  	[tilespmem:s20], [sflag:$0x1] =	stream.indirect_vreg.gather [hbm:s4], $0x80, v0, vm1, $0x38;
	[tilespmem:$0x14280] =	vst v63  }
0x46: {  	s18 =	sadd.s32 $0x40, s18;
	v0 =	vld.msk [tilespmem:s19+$0x0 ss:$0x1], $0xffff  }
0x47: {  	_ =	sdelay $0x3  }
0x48: {  	vm2 =	vgt.s32 v0, $0x0  }
0x49: {  	v0 =	vnsel vm2, $0x0, v0  }
0x4a: {  	v0 =	vmin.u32 v0, $0x270FF  }
0x4b: {  	v0 =	vshll.u32 v0, $0x4;
	_ =	sdelay $0x3  }
0x4c: {  	s16 =	sadd.s32 $0x800, s17  }
0x4d: {  	[tilespmem:s16], [sflag:$0x1] =	stream.indirect_vreg.gather [hbm:s4], $0x80, v0, vm0, $0x38;
	[tilespmem:$0x14280] =	vst v63  }
0x4e: {  	s16 =	sadd.s32 $0x400, s16  }
0x4f: {  	[tilespmem:s16], [sflag:$0x1] =	stream.indirect_vreg.gather [hbm:s4], $0x80, v0, vm1, $0x38;
	[tilespmem:$0x14280] =	vst v63  }
0x50: {  	s13 =	sshll.u32 s13, $0x4;
	_ =	swait.ge [sflag:s6], $0xA000  }
0x51: {  	s13 =	sadd.s32 s13, s9;
	[sflag:s6] =	ssyncset.done $0x0  }
0x52: {  	s17 =	sadd.s32 $0x0, s13;
	s16 =	simm.s32 $0x80;
	[sflag:s6] =	ssyncadd.s32 $0xFFFF6000  }
.LBB2_5:
0x53: {  	[hbm:s17] =	stream.linear.scatter [tilespmem:s14], [sflag:$0x3], $0x400, $0x38;
	[tilespmem:$0x14280] =	vst v63  }
0x54: {  	s17 =	smov.u32 s16;
	s14 =	smov.u32 s15;
	p1 =	sne.s32 s16, $0x1380  }
.Ltmp4:
0x55: {  	s16 =	sadd.s32 $0x80, s16;
	(pc) =	sbr.rel @p1 .LBB2_5-.Ltmp4, $2  }
0x56: {  	_ =	sdelay $0x2  }
0x57: {  	s15 =	sadd.s32 $0x400, s15;
	s17 =	sadd.s32 s17, s13  }
.Ltmp5:
0x58: {  	_ = 	snop;
	(pc) =	sbr.rel .LBB2_6-.Ltmp5, $1  }
0x59: {  	_ =	sdelay $0x3  }
.LBB2_8:
0x5a: {  	_ =	sfence.sel $0x180000  }
0x5b: {  	s1 =	simm.s32 $0x2;
	[bflag:$0x0] =	sbarrier.arrive $0xFFFF  }
0x5c: {  	s30 =	simm.s32 $0x3;
	[sflag:s1] =	ssyncpa.u1 $0x1  }
0x5d: {  	s31 =	simm.s32 $0x1;
	[sflag:s30] =	ssyncpa.u1 $0x1  }
0x5e: {  	[sflag:s31] =	ssyncpa.u1 $0x1  }
0x5f: {  	p0 =	sne.s32 s0, $0x0;
	_ =	strace $0x90000047  }
0x60: {  	s0 =	sadd.s32 @!p0 $0x100000, s2;
	[bflag:$0x2] =	sbarrier.arrive $0xFFFF  }
0x61: {  	[sflag:s0] =	ssyncadd.tile.s32 @!p0 $0x1;
	_ =	shalt  }
.Lfunc_end2:
_tile_overlayer_lowered:
.L_overlay_start_2:
0x62: {  	(tag) =	ssettag $0x2  }
0x63: {  	s0 =	rddreg [dreg:$0x0];
	s2 =	stileid.u32  }
0x64: {  	s1 =	rddreg [dreg:$0x1];
	p0 =	sne.s32 s2, $0x0  }
0x65: {  	s3 =	rddreg [dreg:$0x2];
	[bflag:$0x3] =	sbarrier.arrive $0xFFFF;
	s2 =	simm.s32 @!p0 $0x1C01  }
0x66: {  	[timem:s3], [sflag:s2] =	dma.local @!p0 [hbm:s0], s1  }
0x67: {  	s0 =	simm.s32 @!p0 $0x1  }
0x68: {  	_ =	swait.ge @!p0 [sflag:s0], s1  }
0x69: {  	s1 =	ssub.s32 @!p0 $0x0, s1;
	[sflag:s0] =	ssyncset.done @!p0 $0x0  }
0x6a: {  	[sflag:s0] =	ssyncadd.s32 @!p0 s1  }
0x6b: {  	[bflag:$0x3] =	sbarrier.arrive $0xFFFF  }
0x6c: {  	_ =	shalt  }

// kernel: gather_offload_async_start
scs
__scs_entry_jumppad:
0x0: {  	(pc) =	sbr.rel $0x88, $3  }
0x1: {  	(tag) =	ssettag $0x0;
	lr =	simm.s32 $0x1  }
0x2: {  	[smem:$0x3F8C] =	sst lr;
	_ =	strace $0xD0000000  }
0x3: {  	_ = 	snop  }
0x4: {  	_ = 	snop  }
0x5: {  	_ = 	snop  }
0x6: {  	_ = 	snop  }
0x7: {  	_ = 	snop  }
__scs_overlays_trampoline_lowered:
0x8: {  	[smem:$0x3F9B] =	sst s0  }
0x9: {  	[smem:$0x3F9C] =	sst s1  }
0xa: {  	[smem:$0x3F9D] =	sst s2  }
0xb: {  	[smem:$0x3F9E] =	sst s3  }
0xc: {  	[smem:$0x3F9F] =	sst s4  }
0xd: {  	[smem:$0x3FA0] =	sst s5  }
0xe: {  	[smem:$0x3FA1] =	sst s6  }
0xf: {  	[smem:$0x3FA2] =	sst s7  }
0x10: {  	[smem:$0x3FA3] =	sst s8  }
0x11: {  	[smem:$0x3FA4] =	sst s9;
	s0 =	simm.s32 @!p0 $0x0  }
0x12: {  	s1 =	sld [smem:$0x3F8A];
	s0 =	simm.s32 @p0 $0x1  }
0x13: {  	[smem:$0x3FA5] =	sst s0;
	s0 =	simm.s32 @!p1 $0x0  }
0x14: {  	s2 =	sld [smem:$0x3F89];
	s0 =	simm.s32 @p1 $0x1  }
0x15: {  	[smem:$0x3FA6] =	sst s0;
	s0 =	simm.s32 @!p2 $0x0  }
0x16: {  	s3 =	sld [smem:$0x3FDB];
	s0 =	simm.s32 @p2 $0x1  }
0x17: {  	s4 =	simm.s32 $0x1BF5;
	[smem:$0x3FA8] =	sst s0  }
0x18: {  	s0 =	sld [smem:$0x3F8B];
	_ =	swait.ge [sflag:s4], $0x0  }
0x19: {  	s7 =	sld [smem:$0x3F8C]  }
0x1a: {  	s8 =	sadd.s32 $0xFFFFE003, lr  }
0x1b: {  	s9 =	sadd.s32 $0xFFFFFEF7, lr;
	s5 =	simm.s32 $0xFFFFFFFF;
	p2 =	slt.u32 s8, $0xFFFFF086  }
0x1c: {  	p1 =	slt.u32 s9, $0xF7A;
	s5 =	simm.s32 @!p2 $0x0  }
0x1d: {  	s5 =	simm.s32 @p1 $0x1;
	p0 =	seq.s32 s7, s2  }
0x1e: {  	s7 =	smul.u32 @!p0 $0xF7A, s2;
	p2 =	seq.s32 @!p0 s5, $0x0  }
0x1f: {  	s9 =	smul.u32 $0xF7A, s1;
	s8 =	simm.s32 @!p0 $0x1BF5;
	p2 =	por !p2, p0  }
0x20: {  	[sflag:s8] =	ssyncset.s32 @!p0 $0xFFFFF086;
	s6 =	sadd.s32 @!p0 s3, s7;
	s7 =	simm.s32 @!p0 $0x108  }
0x21: {  	s3 =	sadd.s32 s3, s9;
	s6 =	sadd.s32 @!p0 $0x88, s6;
	s7 =	simm.s32 @p2 $0x1082  }
0x22: {  	[simem:s7], [sflag:s8] =	dma.local @!p0 [hbm:s6], $0xF7A  }
0x23: {  	s9 =	sor.u32 $0xD0000000, s2;
	s6 =	simm.s32 $0x108;
	_ =	swait.ge @!p0 [sflag:s8], $0x0  }
0x24: {  	s3 =	sadd.s32 $0x88, s3;
	s6 =	simm.s32 @!p1 $0x1082;
	[sflag:s4] =	ssyncset.s32 $0xFFFFF086  }
0x25: {  	[simem:s6], [sflag:s4] =	dma.local [hbm:s3], $0xF7A  }
0x26: {  	[smem:$0x3F8C] =	sst s1;
	(tag) =	ssettag s2;
	_ =	strace s9  }
0x27: {  	s1 =	sld [smem:$0x3F9C]  }
0x28: {  	s2 =	sld [smem:$0x3F9D]  }
0x29: {  	s4 =	sld [smem:$0x3F9F]  }
0x2a: {  	p0 =	seq.s32 s5, $0x0;
	s5 =	sld [smem:$0x3FA0]  }
0x2b: {  	s6 =	sld [smem:$0x3FA1]  }
0x2c: {  	s7 =	sld [smem:$0x3FA2]  }
0x2d: {  	s3 =	simm.s32 $0x108;
	s8 =	sld [smem:$0x3FA3]  }
0x2e: {  	s3 =	simm.s32 @!p0 $0x1082;
	s9 =	sld [smem:$0x3FA4]  }
0x2f: {  	lr =	sadd.s32 s0, s3;
	s0 =	sld [smem:$0x3F9B]  }
0x30: {  	s3 =	sld [smem:$0x3F9E]  }
0x31: {  	[smem:$0x3FA7] =	sst s10  }
0x32: {  	s10 =	sld [smem:$0x3FA5];
	_ =	sdelay $0x3  }
0x33: {  	p0 =	seq.s32 s10, $0x1;
	s10 =	sld [smem:$0x3FA7];
	_ =	sdelay $0x3  }
0x34: {  	[smem:$0x3FA7] =	sst s10  }
0x35: {  	s10 =	sld [smem:$0x3FA6];
	_ =	sdelay $0x3  }
0x36: {  	p1 =	seq.s32 s10, $0x1;
	s10 =	sld [smem:$0x3FA7];
	_ =	sdelay $0x3  }
0x37: {  	[smem:$0x3FA7] =	sst s10  }
0x38: {  	s10 =	sld [smem:$0x3FA8]  }
0x39: {  	_ = 	snop;
	(pc) =	sbr.ind lr, $3  }
0x3a: {  	_ = 	snop  }
0x3b: {  	_ = 	snop  }
0x3c: {  	p2 =	seq.s32 s10, $0x1;
	s10 =	sld [smem:$0x3FA7]  }
0x3d: {  	_ =	shalt  }
0x3e: {  	_ =	shalt  }
0x3f: {  	_ =	shalt  }
0x40: {  	_ =	shalt  }
0x41: {  	_ =	shalt  }
0x42: {  	_ =	shalt  }
0x43: {  	_ =	shalt  }
0x44: {  	_ =	shalt  }
0x45: {  	_ =	shalt  }
0x46: {  	_ =	shalt  }
0x47: {  	_ =	shalt  }
0x48: {  	_ =	shalt  }
0x49: {  	_ =	shalt  }
0x4a: {  	_ =	shalt  }
0x4b: {  	_ =	shalt  }
0x4c: {  	_ =	shalt  }
0x4d: {  	_ =	shalt  }
0x4e: {  	_ =	shalt  }
0x4f: {  	_ =	shalt  }
0x50: {  	_ =	shalt  }
0x51: {  	_ =	shalt  }
0x52: {  	_ =	shalt  }
0x53: {  	_ =	shalt  }
0x54: {  	_ =	shalt  }
0x55: {  	_ =	shalt  }
0x56: {  	_ =	shalt  }
0x57: {  	_ =	shalt  }
0x58: {  	_ =	shalt  }
0x59: {  	_ =	shalt  }
0x5a: {  	_ =	shalt  }
0x5b: {  	_ =	shalt  }
0x5c: {  	_ =	shalt  }
0x5d: {  	_ =	shalt  }
0x5e: {  	_ =	shalt  }
0x5f: {  	_ =	shalt  }
0x60: {  	_ =	shalt  }
0x61: {  	_ =	shalt  }
0x62: {  	_ =	shalt  }
0x63: {  	_ =	shalt  }
0x64: {  	_ =	shalt  }
0x65: {  	_ =	shalt  }
0x66: {  	_ =	shalt  }
0x67: {  	_ =	shalt  }
0x68: {  	_ =	shalt  }
0x69: {  	_ =	shalt  }
0x6a: {  	_ =	shalt  }
0x6b: {  	_ =	shalt  }
0x6c: {  	_ =	shalt  }
0x6d: {  	_ =	shalt  }
0x6e: {  	_ =	shalt  }
0x6f: {  	_ =	shalt  }
0x70: {  	_ =	shalt  }
0x71: {  	_ =	shalt  }
0x72: {  	_ =	shalt  }
0x73: {  	_ =	shalt  }
0x74: {  	_ =	shalt  }
0x75: {  	_ =	shalt  }
0x76: {  	_ =	shalt  }
0x77: {  	_ =	shalt  }
0x78: {  	_ =	shalt  }
0x79: {  	_ =	shalt  }
0x7a: {  	_ =	shalt  }
0x7b: {  	_ =	shalt  }
0x7c: {  	_ =	shalt  }
0x7d: {  	_ =	shalt  }
0x7e: {  	_ =	shalt  }
0x7f: {  	_ =	shalt  }
0x80: {  	_ =	shalt  }
0x81: {  	_ =	shalt  }
0x82: {  	_ =	shalt  }
0x83: {  	_ =	shalt  }
0x84: {  	_ =	shalt  }
0x85: {  	_ =	shalt  }
0x86: {  	_ =	shalt  }
0x87: {  	_ =	shalt  }
.Lfunc_end0:
.L_simem_size_0:
called_computation.1_lowered:
.L_overlay_start_0:
0x88: {  	s2 =	sld [smem:$0x3FD9]  }
0x89: {  	s3 =	sld [smem:$0x3FFE];
	_ =	sdelay $0x1  }
0x8a: {  	s1 =	srdreg.scid  }
0x8b: {  	s0 =	sand.u32 $0x1, s1  }
0x8c: {  	s16 =	sshll.u32 s0, $0xA;
	s2 =	sadd.s32 s3, s2  }
0x8d: {  	s2 =	sadd.s32 s2, s16  }
0x8e: {  	[smem:$0x3FB3] =	sst s2  }
0x8f: {  	_ = 	snop  }
0x90: {  	(tm) =	ssettm $0x1  }
0x91: {  	s17 =	sld [smem:$0x3FFB];
	_ =	sdelay $0x3  }
0x92: {  	_ =	strace s17  }
0x93: {  	s2 =	sld [smem:$0x3FFC];
	_ =	sdelay $0x3  }
0x94: {  	_ =	strace s2  }
0x95: {  	s2 =	sld [smem:$0x3FFD];
	_ =	sdelay $0x3  }
0x96: {  	_ =	strace s2  }
0x97: {  	_ =	strace $0x8FFFFFFF  }
0x98: {  	s18 =	sld [smem:$0x3FDB];
	_ =	sdelay $0x1  }
0x99: {  	s19 =	simm.s32 $_scs_section_size  }
0x9a: {  	s4 =	simm.s32 $_size__tile_overlayer_lowered;
	s5 =	simm.s32 $_tile_overlayer_lowered  }
0x9b: {  	s22 =	simm.s32 $0x1BFF;
	s21 =	sshll.u32 s5, $0x1;
	s2 =	sadd.s32 s19, s18  }
0x9c: {  	s6 =	simm.s32 $0x0;
	s20 =	sshll.u32 s4, $0x1;
	s4 =	sadd.s32 s21, s2  }
0x9d: {  	[timem:s6], [sflag:s22] =	dma.local [hbm:s4], s20  }
0x9e: {  	_ =	swait.ge [sflag:s22], s20  }
0x9f: {  	s3 =	ssub.s32 $0x0, s20;
	[sflag:s22] =	ssyncset.done $0x0  }
0xa0: {  	[sflag:s22] =	ssyncadd.s32 s3;
	_ =	sdelay $0x1  }
0xa1: {  	s23 =	simm.s32 $0x1B8B  }
0xa2: {  	_ =	swait.ge [sflag:s23], $0x1  }
0xa3: {  	[sflag:s23] =	ssyncset.done $0x0  }
0xa4: {  	s25 =	simm.s32 $0x1B8E;
	s24 =	sld [smem:$0x3FFE];
	[sflag:s23] =	ssyncadd.s32 $0xFFFFFFFF  }
0xa5: {  	s26 =	simm.s32 $execute0_lowered;
	[smem:$0x3FD2] =	sst s25  }
0xa6: {  	s4 =	sshll.u32 s26, $0x1;
	_ =	strace $0x8000004F;
	[dreg:$0x1] =	wrdreg $0xFFFFFFFF  }
0xa7: {  	s28 =	simm.s32 $_size_execute0_lowered;
	s2 =	sadd.s32 s2, s4;
	[dreg:$0x0] =	wrdreg $0x0  }
0xa8: {  	s4 =	sshll.u32 s28, $0x1;
	[dreg:$0x2] =	wrdreg s2  }
0xa9: {  	[dreg:$0x3] =	wrdreg s4  }
0xaa: {  	[dreg:$0x4] =	wrdreg $0xC0  }
0xab: {  	_ =	task [dreg:s6], $0x5FFFF  }
0xac: {  	[dreg:$0x1] =	wrdreg $0xFFFFFFFF  }
0xad: {  	[dreg:$0x0] =	wrdreg $0x60  }
0xae: {  	[dreg:$0x2] =	wrdreg s24  }
0xaf: {  	[dreg:$0x3] =	wrdreg $0x9  }
0xb0: {  	_ =	task.clear_ibuf [dreg:s6], $0x4FFFF;
	_ =	strace $0x9000004F  }
0xb1: {  	s29 =	simm.s32 $0x9;
	_ =	strace $0x80000051  }
0xb2: {  	_ =	swait.ge [sflag:s29], $0x1  }
0xb3: {  	[sflag:s29] =	ssyncadd.s32 $0xFFFFFFFF  }
0xb4: {  	_ =	strace $0x90000051  }
0xb5: {  	_ =	sfence  }
0xb6: {  	s30 =	sld [smem:$0x0];
	_ =	sdelay $0x2  }
0xb7: {  	s31 =	sshll.u32 s1, $0xD;
	s1 =	sshrl.u32 s1, $0x2  }
0xb8: {  	s3 =	sand.u32 $0x4000, s31;
	s1 =	sadd.s32 s1, s30  }
0xb9: {  	s0 =	sor.u32 s3, s0;
	s1 =	sshll.u32 s1, $0x11  }
0xba: {  	s0 =	sor.u32 s1, s0  }
0xbb: {  	s0 =	sadd.s32 $0x8F2B, s0  }
0xbc: {  	[sflag:s0] =	ssyncadd.remote.s32 $0x1  }
0xbd: {  	_ =	sfence.sel $0xFFFF  }
0xbe: {  	[dreg:$0x0] =	wrdreg $0xFFFFFFFF;
	(pc) =	sbr.abs _section_cstart, $3  }
0xbf: {  	[dreg:$0x1] =	wrdreg $0xFFFFFFFF  }
0xc0: {  	_ =	task.clear_ibuf [dreg:s6], $0x2FFFF;
	_ =	strace $0x9FFFFFFF  }
0xc1: {  	(tm) =	ssettm $0x7FFFFFFF  }
tec
execute0_lowered:
.L_overlay_start_1:
0x0: {  	(tag) =	ssettag $0x1  }
0x1: {  	s8 =	rddreg [dreg:$0x0]  }
0x2: {  	s0 =	rddreg [dreg:$0x1];
	_ =	strace $0x80000050;
	s1 =	stileid.u32  }
0x3: {  	s3 =	srdreg.scid;
	s4 =	simm.s32 $0x1;
	s7 =	simm.s32 $0x1  }
0x4: {  	s9 =	simm.s32 $0x1;
	s10 =	simm.s32 $0x3;
	s13 =	simm.s32 $0x0  }
0x5: {  	s12 =	simm.s32 $0x0;
	s5 =	sand.u32 $0x1, s3;
	s6 =	sshll.u32 s1, $0x1  }
0x6: {  	s2 =	sadd.s32 $0x11600, s8;
	s3 =	sadd.s32 $0x1B600, s8;
	s5 =	sor.u32 s6, s5  }
.Ltmp0:
0x7: {  	[sflag:s4] =	ssyncpa.u1 $0x0;
	p0 =	slt.u32 s5, $0x9;
	(pc) =	sbr.rel .LBB2_1-.Ltmp0, $4  }
0x8: {  	s6 =	simm.s32 $0x2;
	s7 =	simm.s32 @!p0 $0x0;
	p0 =	sne.s32 s5, $0x8  }
0x9: {  	[sflag:s6] =	ssyncpa.u1 $0x0;
	s5 =	smul.u32 $0xFA0, s5;
	s9 =	simm.s32 @!p0 $0x0  }
0xa: {  	s8 =	sadd.s32 $0x20600, s8;
	[sflag:s10] =	ssyncpa.u1 $0x0;
	s7 =	sadd.s32 s9, s7  }
0xb: {  	vm0 =	vmmov $0xffff;
	s10 =	simm.s32 $0x0;
	s11 =	smov.u32 s5;
	s9 =	sadd.s32 $0x1, s7  }
.LBB2_4:
0xc: {  	v2 =	vnsel vm1, $0x0, v2  }
0xd: {  	vm1 =	vgt.s32 v0, $0x0;
	v2 =	vmin.u32 v2, $0x270FF  }
0xe: {  	v0 =	vnsel vm1, $0x0, v0  }
0xf: {  	v0 =	vmin.u32 v0, $0x270FF  }
0x10: {  	[tilespmem:s18], [sflag:$0x1] =	stream.indirect_vreg.gather [hbm4b:s2+s10], $0x1, v1, vm0, $0x4038;
	[tilespmem:$0x3E80] =	vst v63  }
0x11: {  	(ifvalue) =	ssetifvalue $0x7FFFFFFF  }
0x12: {  	[tilespmem:s15], [sflag:$0x1] =	stream.indirect_vreg.gather [hbm4b:s2+s10], $0x1, v2, vm0, $0x4038;
	[tilespmem:$0x3E80] =	vst v63  }
0x13: {  	s29 =	sadd.s32 $0x10, s15;
	(ifvalue) =	ssetifvalue $0x7FFFFFFF  }
0x14: {  	[tilespmem:s29], [sflag:$0x1] =	stream.indirect_vreg.gather [hbm4b:s2+s10], $0x1, v0, vm0, $0x4038;
	[tilespmem:$0x3E80] =	vst v63  }
0x15: {  	_ =	swait.ge [sflag:s4], $0xFA0  }
0x16: {  	s30 =	sshrl.u32 s13, $0x3;
	[sflag:s4] =	ssyncset.done $0x0  }
0x17: {  	s31 =	sand.u32 $0x7, s13;
	s15 =	sadd.s32 s8, s30;
	[sflag:s4] =	ssyncadd.s32 $0xFFFFF060  }
0x18: {  	[hbm4b:s15+s31] =	stream.linear.scatter [tilespmem:s14], [sflag:$0x3], $0xFA0, $0x38;
	[tilespmem:$0x3E80] =	vst v63  }
.LBB2_5:
0x19: {  	s15 =	sadd.s32 $0x1F400, s11  }
0x1a: {  	p1 =	sgt.s32 s15, $0x270FF  }
0x1b: {  	s15 =	smov.u32 @p1 s5;
	p1 =	sne.s32 s12, s9  }
.Ltmp1:
0x1c: {  	p0 =	slt.u32 s12, $0x2;
	(pc) =	sbr.rel @!p1 .LBB2_6-.Ltmp1, $4  }
0x1d: {  	s14 =	simm.s32 @!p0 $0x3  }
0x1e: {  	_ =	swait.ge @!p0 [sflag:s14], $0xFA0  }
0x1f: {  	s16 =	sadd.s32 $0x1, s12;
	s13 =	smov.u32 s11;
	[sflag:s14] =	ssyncset.done @!p0 $0x0  }
0x20: {  	s12 =	smov.u32 s16;
	s11 =	smov.u32 s15;
	[sflag:s14] =	ssyncadd.s32 @!p0 $0xFFFFF060  }
.LBB2_1:
0x21: {  	p0 =	sge.u32 s12, s7  }
0x22: {  	s14 =	sxor.u32 @!p0 $0x1, s12  }
0x23: {  	s14 =	smul.u32 @!p0 $0x3E80, s14  }
0x24: {  	s31 =	sadd.s32 $0xFFFFFFFF, s12;
	s15 =	sshrl.u32 @!p0 s11, $0x3  }
0x25: {  	s16 =	sand.u32 @!p0 $0x7, s11;
	s15 =	sadd.s32 @!p0 s3, s15;
	s14 =	sshra.s32 @!p0 s14, $0x2  }
0x26: {  	[tilespmem:s14], [sflag:$0x2] =	stream.linear.gather @!p0 [hbm4b:s15+s16], $0xFA0, $0x38;
	[tilespmem:$0x3E80] =	vst v63  }
0x27: {  	p0 =	sge.u32 s31, s7  }
.Ltmp2:
0x28: {  	_ = 	snop;
	(pc) =	sbr.rel @p0 .LBB2_5-.Ltmp2, $1  }
0x29: {  	_ =	sdelay $0x3  }
0x2a: {  	s14 =	sand.u32 $0x1, s12  }
0x2b: {  	_ =	swait.ge [sflag:s6], $0xFA0;
	p0 =	seq.s32 s14, $0x1;
	s14 =	simm.s32 $0xFA0  }
0x2c: {  	[sflag:s6] =	ssyncset.done $0x0;
	s14 =	simm.s32 @!p0 $0x0  }
0x2d: {  	[sflag:s6] =	ssyncadd.s32 $0xFFFFF060;
	(ifvalue) =	ssetifvalue $0x7FFFFFFF;
	v0 =	vld.msk [tilespmem:s14+$0x0 ss:$0x1], $0xffff;
	_ =	sdelay $0x4  }
0x2e: {  	s15 =	sadd.s32 $0x10, s14;
	vm1 =	vgt.s32 v0, $0x0  }
0x2f: {  	v2 =	vld.msk [tilespmem:s15+$0x0 ss:$0x1], $0xffff;
	v1 =	vnsel vm1, $0x0, v0  }
0x30: {  	v1 =	vmin.u32 v1, $0x270FF;
	_ =	sdelay $0x2  }
0x31: {  	s17 =	simm.s32 $0x20;
	s14 =	sadd.s32 $0x1F40, s14;
	s16 =	sadd.s32 $0x10, s15  }
0x32: {  	s15 =	sadd.s32 $0x10, s14;
	s18 =	smov.u32 s14;
	v0 =	vld.msk [tilespmem:s16+$0x0 ss:$0x1], $0xffff;
	vm1 =	vgt.s32 v2, $0x0;
	(ifvalue) =	ssetifvalue $0x7FFFFFFF  }
.LBB2_3:
0x33: {  	[tilespmem:s18], [sflag:$0x1] =	stream.indirect_vreg.gather [hbm4b:s2+s10], $0x1, v1, vm0, $0x4038;
	[tilespmem:$0x3E80] =	vst v63  }
0x34: {  	s17 =	sadd.s32 $0x10, s17  }
0x35: {  	v2 =	vnsel vm1, $0x0, v2;
	p0 =	slt.u32 s17, $0xF90  }
.Ltmp3:
0x36: {  	s18 =	smov.u32 s15;
	v1 =	vmin.u32 v2, $0x270FF;
	(pc) =	sbr.rel @p0 .LBB2_3-.Ltmp3, $3  }
0x37: {  	_ =	sdelay $0x1  }
0x38: {  	s16 =	sadd.s32 $0x10, s16  }
0x39: {  	vm1 =	vgt.s32 v0, $0x0;
	s15 =	sadd.s32 $0x10, s15;
	v2 =	vmov v0;
	(ifvalue) =	ssetifvalue $0x7FFFFFFF;
	v0 =	vld.msk [tilespmem:s16+$0x0 ss:$0x1], $0xffff  }
.Ltmp4:
0x3a: {  	_ = 	snop;
	(pc) =	sbr.rel .LBB2_4-.Ltmp4, $1  }
0x3b: {  	_ =	sdelay $0x3  }
.LBB2_6:
0x3c: {  	_ =	sfence.sel $0x180000  }
0x3d: {  	s2 =	simm.s32 $0x2;
	[bflag:$0x0] =	sbarrier.arrive $0xFFFF  }
0x3e: {  	s30 =	simm.s32 $0x3;
	[sflag:s2] =	ssyncpa.u1 $0x1  }
0x3f: {  	s31 =	simm.s32 $0x1;
	[sflag:s30] =	ssyncpa.u1 $0x1  }
0x40: {  	[sflag:s31] =	ssyncpa.u1 $0x1  }
0x41: {  	p0 =	sne.s32 s1, $0x0;
	_ =	strace $0x90000050  }
0x42: {  	s0 =	sadd.s32 @!p0 $0x100000, s0;
	[bflag:$0x2] =	sbarrier.arrive $0xFFFF  }
0x43: {  	[sflag:s0] =	ssyncadd.tile.s32 @!p0 $0x1;
	_ =	shalt  }
.Lfunc_end2:
_tile_overlayer_lowered:
.L_overlay_start_2:
0x44: {  	(tag) =	ssettag $0x2  }
0x45: {  	s0 =	rddreg [dreg:$0x0];
	s2 =	stileid.u32  }
0x46: {  	s1 =	rddreg [dreg:$0x1];
	p0 =	sne.s32 s2, $0x0  }
0x47: {  	s3 =	rddreg [dreg:$0x2];
	[bflag:$0x3] =	sbarrier.arrive $0xFFFF;
	s2 =	simm.s32 @!p0 $0x1C01  }
0x48: {  	[timem:s3], [sflag:s2] =	dma.local @!p0 [hbm:s0], s1  }
0x49: {  	s0 =	simm.s32 @!p0 $0x1  }
0x4a: {  	_ =	swait.ge @!p0 [sflag:s0], s1  }
0x4b: {  	s1 =	ssub.s32 @!p0 $0x0, s1;
	[sflag:s0] =	ssyncset.done @!p0 $0x0  }
0x4c: {  	[sflag:s0] =	ssyncadd.s32 @!p0 s1  }
0x4d: {  	[bflag:$0x3] =	sbarrier.arrive $0xFFFF  }
0x4e: {  	_ =	shalt  }

// kernel: kernel.5.cloned.1.call-start
scs
__scs_entry_jumppad:
0x0: {  	(pc) =	sbr.rel $0x88, $3  }
0x1: {  	(tag) =	ssettag $0x0;
	lr =	simm.s32 $0x1  }
0x2: {  	[smem:$0x3F8C] =	sst lr;
	_ =	strace $0xD0000000  }
0x3: {  	_ = 	snop  }
0x4: {  	_ = 	snop  }
0x5: {  	_ = 	snop  }
0x6: {  	_ = 	snop  }
0x7: {  	_ = 	snop  }
__scs_overlays_trampoline_lowered:
0x8: {  	[smem:$0x3F9B] =	sst s0  }
0x9: {  	[smem:$0x3F9C] =	sst s1  }
0xa: {  	[smem:$0x3F9D] =	sst s2  }
0xb: {  	[smem:$0x3F9E] =	sst s3  }
0xc: {  	[smem:$0x3F9F] =	sst s4  }
0xd: {  	[smem:$0x3FA0] =	sst s5  }
0xe: {  	[smem:$0x3FA1] =	sst s6  }
0xf: {  	[smem:$0x3FA2] =	sst s7  }
0x10: {  	[smem:$0x3FA3] =	sst s8  }
0x11: {  	[smem:$0x3FA4] =	sst s9;
	s0 =	simm.s32 @!p0 $0x0  }
0x12: {  	s1 =	sld [smem:$0x3F8A];
	s0 =	simm.s32 @p0 $0x1  }
0x13: {  	[smem:$0x3FA5] =	sst s0;
	s0 =	simm.s32 @!p1 $0x0  }
0x14: {  	s2 =	sld [smem:$0x3F89];
	s0 =	simm.s32 @p1 $0x1  }
0x15: {  	[smem:$0x3FA6] =	sst s0;
	s0 =	simm.s32 @!p2 $0x0  }
0x16: {  	s3 =	sld [smem:$0x3FDB];
	s0 =	simm.s32 @p2 $0x1  }
0x17: {  	s4 =	simm.s32 $0x1BF5;
	[smem:$0x3FA8] =	sst s0  }
0x18: {  	s0 =	sld [smem:$0x3F8B];
	_ =	swait.ge [sflag:s4], $0x0  }
0x19: {  	s7 =	sld [smem:$0x3F8C]  }
0x1a: {  	s8 =	sadd.s32 $0xFFFFE003, lr  }
0x1b: {  	s9 =	sadd.s32 $0xFFFFFEF7, lr;
	s5 =	simm.s32 $0xFFFFFFFF;
	p2 =	slt.u32 s8, $0xFFFFF086  }
0x1c: {  	p1 =	slt.u32 s9, $0xF7A;
	s5 =	simm.s32 @!p2 $0x0  }
0x1d: {  	s5 =	simm.s32 @p1 $0x1;
	p0 =	seq.s32 s7, s2  }
0x1e: {  	s7 =	smul.u32 @!p0 $0xF7A, s2;
	p2 =	seq.s32 @!p0 s5, $0x0  }
0x1f: {  	s9 =	smul.u32 $0xF7A, s1;
	s8 =	simm.s32 @!p0 $0x1BF5;
	p2 =	por !p2, p0  }
0x20: {  	[sflag:s8] =	ssyncset.s32 @!p0 $0xFFFFF086;
	s6 =	sadd.s32 @!p0 s3, s7;
	s7 =	simm.s32 @!p0 $0x108  }
0x21: {  	s3 =	sadd.s32 s3, s9;
	s6 =	sadd.s32 @!p0 $0x88, s6;
	s7 =	simm.s32 @p2 $0x1082  }
0x22: {  	[simem:s7], [sflag:s8] =	dma.local @!p0 [hbm:s6], $0xF7A  }
0x23: {  	s9 =	sor.u32 $0xD0000000, s2;
	s6 =	simm.s32 $0x108;
	_ =	swait.ge @!p0 [sflag:s8], $0x0  }
0x24: {  	s3 =	sadd.s32 $0x88, s3;
	s6 =	simm.s32 @!p1 $0x1082;
	[sflag:s4] =	ssyncset.s32 $0xFFFFF086  }
0x25: {  	[simem:s6], [sflag:s4] =	dma.local [hbm:s3], $0xF7A  }
0x26: {  	[smem:$0x3F8C] =	sst s1;
	(tag) =	ssettag s2;
	_ =	strace s9  }
0x27: {  	s1 =	sld [smem:$0x3F9C]  }
0x28: {  	s2 =	sld [smem:$0x3F9D]  }
0x29: {  	s4 =	sld [smem:$0x3F9F]  }
0x2a: {  	p0 =	seq.s32 s5, $0x0;
	s5 =	sld [smem:$0x3FA0]  }
0x2b: {  	s6 =	sld [smem:$0x3FA1]  }
0x2c: {  	s7 =	sld [smem:$0x3FA2]  }
0x2d: {  	s3 =	simm.s32 $0x108;
	s8 =	sld [smem:$0x3FA3]  }
0x2e: {  	s3 =	simm.s32 @!p0 $0x1082;
	s9 =	sld [smem:$0x3FA4]  }
0x2f: {  	lr =	sadd.s32 s0, s3;
	s0 =	sld [smem:$0x3F9B]  }
0x30: {  	s3 =	sld [smem:$0x3F9E]  }
0x31: {  	[smem:$0x3FA7] =	sst s10  }
0x32: {  	s10 =	sld [smem:$0x3FA5];
	_ =	sdelay $0x3  }
0x33: {  	p0 =	seq.s32 s10, $0x1;
	s10 =	sld [smem:$0x3FA7];
	_ =	sdelay $0x3  }
0x34: {  	[smem:$0x3FA7] =	sst s10  }
0x35: {  	s10 =	sld [smem:$0x3FA6];
	_ =	sdelay $0x3  }
0x36: {  	p1 =	seq.s32 s10, $0x1;
	s10 =	sld [smem:$0x3FA7];
	_ =	sdelay $0x3  }
0x37: {  	[smem:$0x3FA7] =	sst s10  }
0x38: {  	s10 =	sld [smem:$0x3FA8]  }
0x39: {  	_ = 	snop;
	(pc) =	sbr.ind lr, $3  }
0x3a: {  	_ = 	snop  }
0x3b: {  	_ = 	snop  }
0x3c: {  	p2 =	seq.s32 s10, $0x1;
	s10 =	sld [smem:$0x3FA7]  }
0x3d: {  	_ =	shalt  }
0x3e: {  	_ =	shalt  }
0x3f: {  	_ =	shalt  }
0x40: {  	_ =	shalt  }
0x41: {  	_ =	shalt  }
0x42: {  	_ =	shalt  }
0x43: {  	_ =	shalt  }
0x44: {  	_ =	shalt  }
0x45: {  	_ =	shalt  }
0x46: {  	_ =	shalt  }
0x47: {  	_ =	shalt  }
0x48: {  	_ =	shalt  }
0x49: {  	_ =	shalt  }
0x4a: {  	_ =	shalt  }
0x4b: {  	_ =	shalt  }
0x4c: {  	_ =	shalt  }
0x4d: {  	_ =	shalt  }
0x4e: {  	_ =	shalt  }
0x4f: {  	_ =	shalt  }
0x50: {  	_ =	shalt  }
0x51: {  	_ =	shalt  }
0x52: {  	_ =	shalt  }
0x53: {  	_ =	shalt  }
0x54: {  	_ =	shalt  }
0x55: {  	_ =	shalt  }
0x56: {  	_ =	shalt  }
0x57: {  	_ =	shalt  }
0x58: {  	_ =	shalt  }
0x59: {  	_ =	shalt  }
0x5a: {  	_ =	shalt  }
0x5b: {  	_ =	shalt  }
0x5c: {  	_ =	shalt  }
0x5d: {  	_ =	shalt  }
0x5e: {  	_ =	shalt  }
0x5f: {  	_ =	shalt  }
0x60: {  	_ =	shalt  }
0x61: {  	_ =	shalt  }
0x62: {  	_ =	shalt  }
0x63: {  	_ =	shalt  }
0x64: {  	_ =	shalt  }
0x65: {  	_ =	shalt  }
0x66: {  	_ =	shalt  }
0x67: {  	_ =	shalt  }
0x68: {  	_ =	shalt  }
0x69: {  	_ =	shalt  }
0x6a: {  	_ =	shalt  }
0x6b: {  	_ =	shalt  }
0x6c: {  	_ =	shalt  }
0x6d: {  	_ =	shalt  }
0x6e: {  	_ =	shalt  }
0x6f: {  	_ =	shalt  }
0x70: {  	_ =	shalt  }
0x71: {  	_ =	shalt  }
0x72: {  	_ =	shalt  }
0x73: {  	_ =	shalt  }
0x74: {  	_ =	shalt  }
0x75: {  	_ =	shalt  }
0x76: {  	_ =	shalt  }
0x77: {  	_ =	shalt  }
0x78: {  	_ =	shalt  }
0x79: {  	_ =	shalt  }
0x7a: {  	_ =	shalt  }
0x7b: {  	_ =	shalt  }
0x7c: {  	_ =	shalt  }
0x7d: {  	_ =	shalt  }
0x7e: {  	_ =	shalt  }
0x7f: {  	_ =	shalt  }
0x80: {  	_ =	shalt  }
0x81: {  	_ =	shalt  }
0x82: {  	_ =	shalt  }
0x83: {  	_ =	shalt  }
0x84: {  	_ =	shalt  }
0x85: {  	_ =	shalt  }
0x86: {  	_ =	shalt  }
0x87: {  	_ =	shalt  }
.Lfunc_end0:
.L_simem_size_0:
called_computation.3_lowered:
.L_overlay_start_0:
0x88: {  	s2 =	sld [smem:$0x3FD9]  }
0x89: {  	s3 =	sld [smem:$0x3FFE];
	_ =	sdelay $0x1  }
0x8a: {  	s1 =	srdreg.scid  }
0x8b: {  	s0 =	sand.u32 $0x1, s1  }
0x8c: {  	s14 =	sshll.u32 s0, $0xA;
	s2 =	sadd.s32 s3, s2  }
0x8d: {  	s2 =	sadd.s32 s2, s14  }
0x8e: {  	[smem:$0x3FB3] =	sst s2  }
0x8f: {  	_ = 	snop  }
0x90: {  	s2 =	sld [smem:$0x3FD0];
	_ =	sdelay $0x1  }
0x91: {  	s15 =	sld [smem:$0x3FC9]  }
0x92: {  	s5 =	simm.s32 $0xA;
	s6 =	simm.s32 $0x10;
	s4 =	sld [smem:$0x3FC8]  }
0x93: {  	[smem:s6], [sflag:s5] =	dma.local [hbm:s2], $0x1  }
0x94: {  	_ =	swait.eq [sflag:s5], $0x1  }
0x95: {  	[sflag:s5] =	ssyncset.done $0x0  }
0x96: {  	[sflag:s5] =	ssyncadd.s32 $0xFFFFFFFF  }
0x97: {  	s16 =	sld [smem:$0x10];
	(tm) =	ssettm $0x1  }
0x98: {  	s17 =	sld [smem:$0x3FFB];
	_ =	sdelay $0x3  }
0x99: {  	_ =	strace s17  }
0x9a: {  	s5 =	sld [smem:$0x3FFC];
	_ =	sdelay $0x3  }
0x9b: {  	_ =	strace s5  }
0x9c: {  	s5 =	sld [smem:$0x3FFD];
	_ =	sdelay $0x3  }
0x9d: {  	_ =	strace s5  }
0x9e: {  	_ =	strace $0x8FFFFFFF  }
0x9f: {  	s18 =	sld [smem:$0x3FDB];
	_ =	sdelay $0x1  }
0xa0: {  	s19 =	simm.s32 $_scs_section_size  }
0xa1: {  	s7 =	simm.s32 $_size__tile_overlayer_lowered;
	s8 =	simm.s32 $_tile_overlayer_lowered  }
0xa2: {  	s22 =	simm.s32 $0x1BFF;
	s21 =	sshll.u32 s8, $0x1;
	s5 =	sadd.s32 s19, s18  }
0xa3: {  	s9 =	simm.s32 $0x0;
	s20 =	sshll.u32 s7, $0x1;
	s7 =	sadd.s32 s21, s5  }
0xa4: {  	[timem:s9], [sflag:s22] =	dma.local [hbm:s7], s20  }
0xa5: {  	_ =	swait.ge [sflag:s22], s20  }
0xa6: {  	s6 =	ssub.s32 $0x0, s20;
	[sflag:s22] =	ssyncset.done $0x0  }
0xa7: {  	[sflag:s22] =	ssyncadd.s32 s6;
	_ =	sdelay $0x1  }
0xa8: {  	s23 =	simm.s32 $0x1B8B  }
0xa9: {  	_ =	swait.ge [sflag:s23], $0x1  }
0xaa: {  	[sflag:s23] =	ssyncset.done $0x0  }
0xab: {  	s25 =	simm.s32 $0x1B8E;
	s24 =	sld [smem:$0x3FFE];
	[sflag:s23] =	ssyncadd.s32 $0xFFFFFFFF  }
0xac: {  	s26 =	simm.s32 $execute0_lowered;
	[smem:$0x3FD2] =	sst s25  }
0xad: {  	s7 =	sshll.u32 s26, $0x1;
	_ =	strace $0x80000049;
	[dreg:$0x1] =	wrdreg $0xFFFFFFFF  }
0xae: {  	s28 =	simm.s32 $_size_execute0_lowered;
	s5 =	sadd.s32 s5, s7;
	[dreg:$0x0] =	wrdreg $0x0  }
0xaf: {  	s7 =	sshll.u32 s28, $0x1;
	[dreg:$0x2] =	wrdreg s5  }
0xb0: {  	[dreg:$0x3] =	wrdreg s7  }
0xb1: {  	[dreg:$0x4] =	wrdreg $0xC0  }
0xb2: {  	_ =	task [dreg:s9], $0x5FFFF  }
0xb3: {  	[dreg:$0x1] =	wrdreg $0xFFFFFFFF  }
0xb4: {  	[dreg:$0x0] =	wrdreg $0x60  }
0xb5: {  	[dreg:$0x2] =	wrdreg s15  }
0xb6: {  	[dreg:$0x3] =	wrdreg s4  }
0xb7: {  	[dreg:$0x4] =	wrdreg s16  }
0xb8: {  	[dreg:$0x5] =	wrdreg s24  }
0xb9: {  	[dreg:$0x6] =	wrdreg $0x9  }
0xba: {  	_ =	task.clear_ibuf [dreg:s9], $0x7FFFF;
	_ =	strace $0x90000049  }
0xbb: {  	s29 =	simm.s32 $0x9;
	_ =	strace $0x8000004B  }
0xbc: {  	_ =	swait.ge [sflag:s29], $0x1  }
0xbd: {  	[sflag:s29] =	ssyncadd.s32 $0xFFFFFFFF  }
0xbe: {  	_ =	strace $0x9000004B  }
0xbf: {  	_ =	sfence  }
0xc0: {  	s30 =	sld [smem:$0x0];
	_ =	sdelay $0x2  }
0xc1: {  	s31 =	sshll.u32 s1, $0xD;
	s1 =	sshrl.u32 s1, $0x2  }
0xc2: {  	s3 =	sand.u32 $0x4000, s31;
	s1 =	sadd.s32 s1, s30  }
0xc3: {  	s0 =	sor.u32 s3, s0;
	s1 =	sshll.u32 s1, $0x11  }
0xc4: {  	s0 =	sor.u32 s1, s0  }
0xc5: {  	s0 =	sadd.s32 $0x8F2B, s0  }
0xc6: {  	[sflag:s0] =	ssyncadd.remote.s32 $0x1  }
0xc7: {  	_ =	sfence.sel $0xFFFF  }
0xc8: {  	[dreg:$0x0] =	wrdreg $0xFFFFFFFF;
	(pc) =	sbr.abs _section_cstart, $3  }
0xc9: {  	[dreg:$0x1] =	wrdreg $0xFFFFFFFF  }
0xca: {  	_ =	task.clear_ibuf [dreg:s9], $0x2FFFF;
	_ =	strace $0x9FFFFFFF  }
0xcb: {  	(tm) =	ssettm $0x7FFFFFFF  }
tec
execute0_lowered:
.L_overlay_start_1:
0x0: {  	(tag) =	ssettag $0x1  }
0x1: {  	s1 =	rddreg [dreg:$0x0]  }
0x2: {  	s2 =	rddreg [dreg:$0x1]  }
0x3: {  	s3 =	rddreg [dreg:$0x2]  }
0x4: {  	s8 =	rddreg [dreg:$0x3]  }
0x5: {  	s0 =	rddreg [dreg:$0x4];
	s4 =	simm.s32 $0x0  }
0x6: {  	s7 =	srdreg.scid;
	s5 =	stileid.u32;
	s14 =	simm.s32 $0x2  }
0x7: {  	s15 =	simm.s32 $0x80;
	s16 =	simm.s32 $0x1;
	s17 =	simm.s32 $0x0  }
0x8: {  	[smem:$0x7FF] =	sst s4;
	s6 =	sadd.s32 $0x7400, s8;
	s9 =	sand.u32 $0x1, s7  }
0x9: {  	s7 =	sadd.s32 $0x2400, s8;
	s11 =	sshll.u32 s5, $0x1;
	s12 =	sshll.u32 s5, $0xC  }
0xa: {  	s30 =	sshll.u32 s5, $0x8;
	_ =	strace $0x8000004A;
	s10 =	ssub.s32 $0x2, s9  }
0xb: {  	s11 =	sor.u32 s11, s9;
	s12 =	sadd.s32 s12, s8;
	s28 =	sshll.u32 s9, $0xB  }
0xc: {  	s31 =	sshll.u32 s9, $0x7;
	s13 =	sshrl.u32 s10, $0x1;
	s26 =	ssub.s32 $0x4E1, s11  }
0xd: {  	s29 =	sadd.s32 s28, s12;
	s11 =	sor.u32 s31, s30;
	s25 =	ssub.s32 s10, s13  }
0xe: {  	s10 =	sshrl.u32 s26, $0x5;
	s12 =	sadd.s32 $0x27D400, s29;
	s13 =	sadd.s32 $0x4EE400, s29  }
0xf: {  	s8 =	smax.u32 s25, $0x1;
	s9 =	sxor.u32 $0xFFFFFFFF, s10;
	s10 =	sadd.s32 $0xC400, s29  }
.LBB2_1:
0x10: {  	s19 =	sadd.s32 $0x1, s9  }
0x11: {  	p0 =	seq.s32 s19, $0x0  }
.Ltmp0:
0x12: {  	_ = 	snop;
	(pc) =	sbr.rel @p0 .LBB2_4-.Ltmp0, $3  }
0x13: {  	_ =	sdelay $0x1  }
0x14: {  	s18 =	sshrl.u32 s11, $0x3;
	p1 =	por $0x0, $0x0  }
0x15: {  	s20 =	smov.u32 s10;
	p2 =	por $0x0, $0x0;
	s23 =	smov.u32 s18  }
0x16: {  	s20 =	sadd.s32 s3, s18  }
0x17: {  	[tilespmem:s4], [sflag:$0x2] =	stream.linear.gather [hbm4b:s20+s4], $0x80, $0x38;
	[tilespmem:$0x4080] =	vst v63  }
0x18: {  	_ =	swait.ge [sflag:s14], $0x80  }
0x19: {  	[sflag:s14] =	ssyncset.done $0x0  }
0x1a: {  	s21 =	sadd.s32 $0x1, s19;
	[sflag:s14] =	ssyncadd.s32 $0xFFFFFF80  }
0x1b: {  	[tilespmem:s15], [sflag:$0x1] =	stream.indirect.gather [hbm4b:s1+s15], $0x80, s4, s15, $0xb8;
	[tilespmem:$0x4080] =	vst v63  }
0x1c: {  	p3 =	seq.s32 s21, $0x0;
	_ =	swait.ge [sflag:s16], $0x4000  }
.Ltmp1:
0x1d: {  	[sflag:s16] =	ssyncset.done $0x0;
	(pc) =	sbr.rel @p3 .LBB2_4-.Ltmp1, $4  }
0x1e: {  	[sflag:s16] =	ssyncadd.s32 $0xFFFFC000  }
0x1f: {  	[hbm4b:s10+s4] =	stream.linear.scatter [tilespmem:s15], [sflag:$0x2], $0x4000, $0x38;
	[tilespmem:$0x4080] =	vst v63  }
0x20: {  	s22 =	sadd.s32 $0x1000, s11;
	p2 =	por $0x1, $0x1;
	_ =	swait.ge [sflag:s14], $0x4000  }
0x21: {  	s23 =	sshrl.u32 s22, $0x3;
	s20 =	sadd.s32 $0x10000, s10;
	[sflag:s14] =	ssyncset.done $0x0  }
.LBB2_3:
0x22: {  	s21 =	sadd.s32 $0x1, s21;
	s23 =	sadd.s32 s3, s23;
	[sflag:s14] =	ssyncadd.s32 $0xFFFFC000  }
0x23: {  	[tilespmem:s4], [sflag:$0x2] =	stream.linear.gather [hbm4b:s23+s4], $0x80, $0x38;
	[tilespmem:$0x4080] =	vst v63  }
0x24: {  	p3 =	seq.s32 s21, $0x0;
	_ =	swait.ge [sflag:s14], $0x80  }
0x25: {  	[sflag:s14] =	ssyncset.done $0x0  }
0x26: {  	[sflag:s14] =	ssyncadd.s32 $0xFFFFFF80  }
0x27: {  	[tilespmem:s15], [sflag:$0x1] =	stream.indirect.gather [hbm4b:s1+s15], $0x80, s4, s15, $0xb8;
	[tilespmem:$0x4080] =	vst v63  }
0x28: {  	_ =	swait.ge [sflag:s16], $0x4000  }
.Ltmp2:
0x29: {  	[sflag:s16] =	ssyncset.done $0x0;
	(pc) =	sbr.rel @!p3 .LBB2_3-.Ltmp2, $4  }
0x2a: {  	[sflag:s16] =	ssyncadd.s32 $0xFFFFC000  }
0x2b: {  	[hbm4b:s20+s4] =	stream.linear.scatter [tilespmem:s15], [sflag:$0x2], $0x4000, $0x38;
	[tilespmem:$0x4080] =	vst v63  }
0x2c: {  	s22 =	sadd.s32 $0x1000, s22;
	_ =	swait.ge [sflag:s14], $0x4000  }
0x2d: {  	s23 =	sshrl.u32 s22, $0x3;
	s20 =	sadd.s32 $0x10000, s20;
	[sflag:s14] =	ssyncset.done $0x0  }
.LBB2_4:
0x2e: {  	s21 =	sadd.s32 s3, s23;
	[sflag:s14] =	ssyncadd.s32 @p2 $0xFFFFC000  }
0x2f: {  	[tilespmem:s4], [sflag:$0x2] =	stream.linear.gather [hbm4b:s21+s4], $0x80, $0x38;
	[tilespmem:$0x4080] =	vst v63  }
0x30: {  	_ =	swait.ge [sflag:s14], $0x80  }
0x31: {  	[sflag:s14] =	ssyncset.done $0x0  }
0x32: {  	[sflag:s14] =	ssyncadd.s32 $0xFFFFFF80  }
0x33: {  	[tilespmem:s15], [sflag:$0x1] =	stream.indirect.gather [hbm4b:s1+s15], $0x80, s4, s15, $0xb8;
	[tilespmem:$0x4080] =	vst v63  }
0x34: {  	_ =	swait.ge [sflag:s16], $0x4000  }
0x35: {  	[sflag:s16] =	ssyncset.done $0x0  }
.Ltmp3:
0x36: {  	[sflag:s16] =	ssyncadd.s32 $0xFFFFC000;
	(pc) =	sbr.rel @p0 .LBB2_7-.Ltmp3, $4  }
0x37: {  	[hbm4b:s20+s4] =	stream.linear.scatter [tilespmem:s15], [sflag:$0x2], $0x4000, $0x38;
	[tilespmem:$0x4080] =	vst v63  }
0x38: {  	_ =	swait.ge [sflag:s14], $0x4000  }
0x39: {  	[sflag:s14] =	ssyncset.done $0x0  }
0x3a: {  	s23 =	smov.u32 s18;
	s20 =	smov.u32 s12;
	[sflag:s14] =	ssyncadd.s32 $0xFFFFC000  }
0x3b: {  	s20 =	sadd.s32 s6, s18  }
0x3c: {  	[tilespmem:s4], [sflag:$0x2] =	stream.linear.gather [hbm4b:s20+s4], $0x80, $0x38;
	[tilespmem:$0x4080] =	vst v63  }
0x3d: {  	_ =	swait.ge [sflag:s14], $0x80  }
0x3e: {  	[sflag:s14] =	ssyncset.done $0x0  }
0x3f: {  	s21 =	sadd.s32 $0x1, s19;
	[sflag:s14] =	ssyncadd.s32 $0xFFFFFF80  }
0x40: {  	[tilespmem:s15], [sflag:$0x1] =	stream.indirect.gather [hbm4b:s1+s15], $0x80, s4, s15, $0xb8;
	[tilespmem:$0x4080] =	vst v63  }
0x41: {  	p2 =	seq.s32 s21, $0x0;
	_ =	swait.ge [sflag:s16], $0x4000  }
.Ltmp4:
0x42: {  	[sflag:s16] =	ssyncset.done $0x0;
	(pc) =	sbr.rel @p2 .LBB2_7-.Ltmp4, $4  }
0x43: {  	[sflag:s16] =	ssyncadd.s32 $0xFFFFC000  }
0x44: {  	[hbm4b:s12+s4] =	stream.linear.scatter [tilespmem:s15], [sflag:$0x2], $0x4000, $0x38;
	[tilespmem:$0x4080] =	vst v63  }
0x45: {  	s22 =	sadd.s32 $0x1000, s11;
	p1 =	por $0x1, $0x1;
	_ =	swait.ge [sflag:s14], $0x4000  }
0x46: {  	s23 =	sshrl.u32 s22, $0x3;
	s20 =	sadd.s32 $0x10000, s12;
	[sflag:s14] =	ssyncset.done $0x0  }
.LBB2_6:
0x47: {  	s21 =	sadd.s32 $0x1, s21;
	s23 =	sadd.s32 s6, s23;
	[sflag:s14] =	ssyncadd.s32 $0xFFFFC000  }
0x48: {  	[tilespmem:s4], [sflag:$0x2] =	stream.linear.gather [hbm4b:s23+s4], $0x80, $0x38;
	[tilespmem:$0x4080] =	vst v63  }
0x49: {  	p2 =	seq.s32 s21, $0x0;
	_ =	swait.ge [sflag:s14], $0x80  }
0x4a: {  	[sflag:s14] =	ssyncset.done $0x0  }
0x4b: {  	[sflag:s14] =	ssyncadd.s32 $0xFFFFFF80  }
0x4c: {  	[tilespmem:s15], [sflag:$0x1] =	stream.indirect.gather [hbm4b:s1+s15], $0x80, s4, s15, $0xb8;
	[tilespmem:$0x4080] =	vst v63  }
0x4d: {  	_ =	swait.ge [sflag:s16], $0x4000  }
.Ltmp5:
0x4e: {  	[sflag:s16] =	ssyncset.done $0x0;
	(pc) =	sbr.rel @!p2 .LBB2_6-.Ltmp5, $4  }
0x4f: {  	[sflag:s16] =	ssyncadd.s32 $0xFFFFC000  }
0x50: {  	[hbm4b:s20+s4] =	stream.linear.scatter [tilespmem:s15], [sflag:$0x2], $0x4000, $0x38;
	[tilespmem:$0x4080] =	vst v63  }
0x51: {  	s22 =	sadd.s32 $0x1000, s22;
	_ =	swait.ge [sflag:s14], $0x4000  }
0x52: {  	s23 =	sshrl.u32 s22, $0x3;
	s20 =	sadd.s32 $0x10000, s20;
	[sflag:s14] =	ssyncset.done $0x0  }
.LBB2_7:
0x53: {  	s21 =	sadd.s32 s6, s23;
	[sflag:s14] =	ssyncadd.s32 @p1 $0xFFFFC000  }
0x54: {  	[tilespmem:s4], [sflag:$0x2] =	stream.linear.gather [hbm4b:s21+s4], $0x80, $0x38;
	[tilespmem:$0x4080] =	vst v63  }
0x55: {  	_ =	swait.ge [sflag:s14], $0x80  }
0x56: {  	[sflag:s14] =	ssyncset.done $0x0  }
0x57: {  	[sflag:s14] =	ssyncadd.s32 $0xFFFFFF80  }
0x58: {  	[tilespmem:s15], [sflag:$0x1] =	stream.indirect.gather [hbm4b:s1+s15], $0x80, s4, s15, $0xb8;
	[tilespmem:$0x4080] =	vst v63  }
0x59: {  	_ =	swait.ge [sflag:s16], $0x4000  }
0x5a: {  	[sflag:s16] =	ssyncset.done $0x0  }
.Ltmp6:
0x5b: {  	[sflag:s16] =	ssyncadd.s32 $0xFFFFC000;
	(pc) =	sbr.rel @p0 .LBB2_8-.Ltmp6, $4  }
0x5c: {  	[hbm4b:s20+s4] =	stream.linear.scatter [tilespmem:s15], [sflag:$0x2], $0x4000, $0x38;
	[tilespmem:$0x4080] =	vst v63  }
0x5d: {  	_ =	swait.ge [sflag:s14], $0x4000  }
0x5e: {  	[sflag:s14] =	ssyncset.done $0x0  }
0x5f: {  	p1 =	por $0x0, $0x0;
	[sflag:s14] =	ssyncadd.s32 $0xFFFFC000  }
0x60: {  	s18 =	sadd.s32 s7, s18  }
0x61: {  	[tilespmem:s4], [sflag:$0x2] =	stream.linear.gather [hbm4b:s18+s4], $0x80, $0x38;
	[tilespmem:$0x4080] =	vst v63  }
0x62: {  	_ =	swait.ge [sflag:s14], $0x80  }
0x63: {  	[sflag:s14] =	ssyncset.done $0x0  }
0x64: {  	s20 =	sadd.s32 $0x1, s19;
	[sflag:s14] =	ssyncadd.s32 $0xFFFFFF80  }
0x65: {  	[tilespmem:s15], [sflag:$0x1] =	stream.indirect.gather [hbm4b:s2+s15], $0x80, s4, s15, $0xb8;
	[tilespmem:$0x4080] =	vst v63  }
0x66: {  	p0 =	seq.s32 s20, $0x0;
	_ =	swait.ge [sflag:s16], $0x4000  }
.Ltmp7:
0x67: {  	[sflag:s16] =	ssyncset.done $0x0;
	(pc) =	sbr.rel @p0 .LBB2_11-.Ltmp7, $4  }
0x68: {  	[sflag:s16] =	ssyncadd.s32 $0xFFFFC000  }
0x69: {  	[hbm4b:s13+s4] =	stream.linear.scatter [tilespmem:s15], [sflag:$0x2], $0x4000, $0x38;
	[tilespmem:$0x4080] =	vst v63  }
0x6a: {  	s21 =	sadd.s32 $0x1000, s11;
	s19 =	sadd.s32 $0x10000, s13;
	_ =	swait.ge [sflag:s14], $0x4000  }
0x6b: {  	p1 =	por $0x1, $0x1;
	s18 =	sshrl.u32 s21, $0x3;
	[sflag:s14] =	ssyncset.done $0x0  }
.LBB2_10:
0x6c: {  	s20 =	sadd.s32 $0x1, s20;
	s18 =	sadd.s32 s7, s18;
	[sflag:s14] =	ssyncadd.s32 $0xFFFFC000  }
0x6d: {  	[tilespmem:s4], [sflag:$0x2] =	stream.linear.gather [hbm4b:s18+s4], $0x80, $0x38;
	[tilespmem:$0x4080] =	vst v63  }
0x6e: {  	p0 =	seq.s32 s20, $0x0;
	_ =	swait.ge [sflag:s14], $0x80  }
0x6f: {  	[sflag:s14] =	ssyncset.done $0x0  }
0x70: {  	[sflag:s14] =	ssyncadd.s32 $0xFFFFFF80  }
0x71: {  	[tilespmem:s15], [sflag:$0x1] =	stream.indirect.gather [hbm4b:s2+s15], $0x80, s4, s15, $0xb8;
	[tilespmem:$0x4080] =	vst v63  }
0x72: {  	_ =	swait.ge [sflag:s16], $0x4000  }
.Ltmp8:
0x73: {  	[sflag:s16] =	ssyncset.done $0x0;
	(pc) =	sbr.rel @!p0 .LBB2_10-.Ltmp8, $4  }
0x74: {  	[sflag:s16] =	ssyncadd.s32 $0xFFFFC000  }
0x75: {  	[hbm4b:s19+s4] =	stream.linear.scatter [tilespmem:s15], [sflag:$0x2], $0x4000, $0x38;
	[tilespmem:$0x4080] =	vst v63  }
0x76: {  	s21 =	sadd.s32 $0x1000, s21;
	_ =	swait.ge [sflag:s14], $0x4000  }
0x77: {  	s18 =	sshrl.u32 s21, $0x3;
	s19 =	sadd.s32 $0x10000, s19;
	[sflag:s14] =	ssyncset.done $0x0  }
.LBB2_11:
0x78: {  	s18 =	sadd.s32 s7, s18;
	[sflag:s14] =	ssyncadd.s32 @p1 $0xFFFFC000  }
0x79: {  	[tilespmem:s4], [sflag:$0x2] =	stream.linear.gather [hbm4b:s18+s4], $0x80, $0x38;
	[tilespmem:$0x4080] =	vst v63  }
0x7a: {  	_ =	swait.ge [sflag:s14], $0x80  }
0x7b: {  	[sflag:s14] =	ssyncset.done $0x0  }
0x7c: {  	[sflag:s14] =	ssyncadd.s32 $0xFFFFFF80  }
0x7d: {  	[tilespmem:s15], [sflag:$0x1] =	stream.indirect.gather [hbm4b:s2+s15], $0x80, s4, s15, $0xb8;
	[tilespmem:$0x4080] =	vst v63  }
0x7e: {  	_ =	swait.ge [sflag:s16], $0x4000  }
0x7f: {  	s17 =	sadd.s32 $0x1, s17;
	[sflag:s16] =	ssyncset.done $0x0  }
0x80: {  	p0 =	sne.s32 s17, s8;
	[sflag:s16] =	ssyncadd.s32 $0xFFFFC000  }
0x81: {  	[hbm4b:s19+s4] =	stream.linear.scatter [tilespmem:s15], [sflag:$0x2], $0x4000, $0x38;
	[tilespmem:$0x4080] =	vst v63  }
.Ltmp9:
0x82: {  	_ = 	snop;
	(pc) =	sbr.rel @p0 .LBB2_1-.Ltmp9, $4  }
.Ltmp10:
0x83: {  	_ = 	snop;
	(pc) =	sbr.rel @!p0 .LBB2_12-.Ltmp10, $4  }
0x84: {  	_ =	swait.ge [sflag:s14], $0x4000  }
0x85: {  	[sflag:s14] =	ssyncset.done $0x0  }
0x86: {  	[sflag:s14] =	ssyncadd.s32 $0xFFFFC000  }
0x87: {  	_ = 	snop  }
.LBB2_8:
.Ltmp11:
0x88: {  	(pc) =	sbr.rel .LBB2_11-.Ltmp11, $2  }
0x89: {  	_ =	sdelay $0x2  }
0x8a: {  	s19 =	smov.u32 s13  }
.LBB2_12:
0x8b: {  	_ =	sfence.sel $0x180000  }
0x8c: {  	[bflag:$0x0] =	sbarrier.arrive $0xFFFF  }
0x8d: {  	p0 =	sne.s32 s5, $0x0;
	_ =	strace $0x9000004A  }
0x8e: {  	s0 =	sadd.s32 @!p0 $0x100000, s0;
	[bflag:$0x2] =	sbarrier.arrive $0xFFFF  }
0x8f: {  	[sflag:s0] =	ssyncadd.tile.s32 @!p0 $0x1;
	_ =	shalt  }
.Lfunc_end2:
_tile_overlayer_lowered:
.L_overlay_start_2:
0x90: {  	(tag) =	ssettag $0x2  }
0x91: {  	s0 =	rddreg [dreg:$0x0];
	s2 =	stileid.u32  }
0x92: {  	s1 =	rddreg [dreg:$0x1];
	p0 =	sne.s32 s2, $0x0  }
0x93: {  	s3 =	rddreg [dreg:$0x2];
	[bflag:$0x3] =	sbarrier.arrive $0xFFFF;
	s2 =	simm.s32 @!p0 $0x1C02  }
0x94: {  	[timem:s3], [sflag:s2] =	dma.local @!p0 [hbm:s0], s1  }
0x95: {  	s0 =	simm.s32 @!p0 $0x2  }
0x96: {  	_ =	swait.ge @!p0 [sflag:s0], s1  }
0x97: {  	s1 =	ssub.s32 @!p0 $0x0, s1;
	[sflag:s0] =	ssyncset.done @!p0 $0x0  }
0x98: {  	[sflag:s0] =	ssyncadd.s32 @!p0 s1  }
0x99: {  	[bflag:$0x3] =	sbarrier.arrive $0xFFFF  }
0x9a: {  	_ =	shalt  }

// kernel: scatter_offload_async_start
scs
__scs_entry_jumppad:
0x0: {  	(pc) =	sbr.rel $0x88, $3  }
0x1: {  	(tag) =	ssettag $0x0;
	lr =	simm.s32 $0x1  }
0x2: {  	[smem:$0x3F8C] =	sst lr;
	_ =	strace $0xD0000000  }
0x3: {  	_ = 	snop  }
0x4: {  	_ = 	snop  }
0x5: {  	_ = 	snop  }
0x6: {  	_ = 	snop  }
0x7: {  	_ = 	snop  }
__scs_overlays_trampoline_lowered:
0x8: {  	[smem:$0x3F9B] =	sst s0  }
0x9: {  	[smem:$0x3F9C] =	sst s1  }
0xa: {  	[smem:$0x3F9D] =	sst s2  }
0xb: {  	[smem:$0x3F9E] =	sst s3  }
0xc: {  	[smem:$0x3F9F] =	sst s4  }
0xd: {  	[smem:$0x3FA0] =	sst s5  }
0xe: {  	[smem:$0x3FA1] =	sst s6  }
0xf: {  	[smem:$0x3FA2] =	sst s7  }
0x10: {  	[smem:$0x3FA3] =	sst s8  }
0x11: {  	[smem:$0x3FA4] =	sst s9;
	s0 =	simm.s32 @!p0 $0x0  }
0x12: {  	s1 =	sld [smem:$0x3F8A];
	s0 =	simm.s32 @p0 $0x1  }
0x13: {  	[smem:$0x3FA5] =	sst s0;
	s0 =	simm.s32 @!p1 $0x0  }
0x14: {  	s2 =	sld [smem:$0x3F89];
	s0 =	simm.s32 @p1 $0x1  }
0x15: {  	[smem:$0x3FA6] =	sst s0;
	s0 =	simm.s32 @!p2 $0x0  }
0x16: {  	s3 =	sld [smem:$0x3FDB];
	s0 =	simm.s32 @p2 $0x1  }
0x17: {  	s4 =	simm.s32 $0x1BF5;
	[smem:$0x3FA8] =	sst s0  }
0x18: {  	s0 =	sld [smem:$0x3F8B];
	_ =	swait.ge [sflag:s4], $0x0  }
0x19: {  	s7 =	sld [smem:$0x3F8C]  }
0x1a: {  	s8 =	sadd.s32 $0xFFFFE003, lr  }
0x1b: {  	s9 =	sadd.s32 $0xFFFFFEF7, lr;
	s5 =	simm.s32 $0xFFFFFFFF;
	p2 =	slt.u32 s8, $0xFFFFF086  }
0x1c: {  	p1 =	slt.u32 s9, $0xF7A;
	s5 =	simm.s32 @!p2 $0x0  }
0x1d: {  	s5 =	simm.s32 @p1 $0x1;
	p0 =	seq.s32 s7, s2  }
0x1e: {  	s7 =	smul.u32 @!p0 $0xF7A, s2;
	p2 =	seq.s32 @!p0 s5, $0x0  }
0x1f: {  	s9 =	smul.u32 $0xF7A, s1;
	s8 =	simm.s32 @!p0 $0x1BF5;
	p2 =	por !p2, p0  }
0x20: {  	[sflag:s8] =	ssyncset.s32 @!p0 $0xFFFFF086;
	s6 =	sadd.s32 @!p0 s3, s7;
	s7 =	simm.s32 @!p0 $0x108  }
0x21: {  	s3 =	sadd.s32 s3, s9;
	s6 =	sadd.s32 @!p0 $0x88, s6;
	s7 =	simm.s32 @p2 $0x1082  }
0x22: {  	[simem:s7], [sflag:s8] =	dma.local @!p0 [hbm:s6], $0xF7A  }
0x23: {  	s9 =	sor.u32 $0xD0000000, s2;
	s6 =	simm.s32 $0x108;
	_ =	swait.ge @!p0 [sflag:s8], $0x0  }
0x24: {  	s3 =	sadd.s32 $0x88, s3;
	s6 =	simm.s32 @!p1 $0x1082;
	[sflag:s4] =	ssyncset.s32 $0xFFFFF086  }
0x25: {  	[simem:s6], [sflag:s4] =	dma.local [hbm:s3], $0xF7A  }
0x26: {  	[smem:$0x3F8C] =	sst s1;
	(tag) =	ssettag s2;
	_ =	strace s9  }
0x27: {  	s1 =	sld [smem:$0x3F9C]  }
0x28: {  	s2 =	sld [smem:$0x3F9D]  }
0x29: {  	s4 =	sld [smem:$0x3F9F]  }
0x2a: {  	p0 =	seq.s32 s5, $0x0;
	s5 =	sld [smem:$0x3FA0]  }
0x2b: {  	s6 =	sld [smem:$0x3FA1]  }
0x2c: {  	s7 =	sld [smem:$0x3FA2]  }
0x2d: {  	s3 =	simm.s32 $0x108;
	s8 =	sld [smem:$0x3FA3]  }
0x2e: {  	s3 =	simm.s32 @!p0 $0x1082;
	s9 =	sld [smem:$0x3FA4]  }
0x2f: {  	lr =	sadd.s32 s0, s3;
	s0 =	sld [smem:$0x3F9B]  }
0x30: {  	s3 =	sld [smem:$0x3F9E]  }
0x31: {  	[smem:$0x3FA7] =	sst s10  }
0x32: {  	s10 =	sld [smem:$0x3FA5];
	_ =	sdelay $0x3  }
0x33: {  	p0 =	seq.s32 s10, $0x1;
	s10 =	sld [smem:$0x3FA7];
	_ =	sdelay $0x3  }
0x34: {  	[smem:$0x3FA7] =	sst s10  }
0x35: {  	s10 =	sld [smem:$0x3FA6];
	_ =	sdelay $0x3  }
0x36: {  	p1 =	seq.s32 s10, $0x1;
	s10 =	sld [smem:$0x3FA7];
	_ =	sdelay $0x3  }
0x37: {  	[smem:$0x3FA7] =	sst s10  }
0x38: {  	s10 =	sld [smem:$0x3FA8]  }
0x39: {  	_ = 	snop;
	(pc) =	sbr.ind lr, $3  }
0x3a: {  	_ = 	snop  }
0x3b: {  	_ = 	snop  }
0x3c: {  	p2 =	seq.s32 s10, $0x1;
	s10 =	sld [smem:$0x3FA7]  }
0x3d: {  	_ =	shalt  }
0x3e: {  	_ =	shalt  }
0x3f: {  	_ =	shalt  }
0x40: {  	_ =	shalt  }
0x41: {  	_ =	shalt  }
0x42: {  	_ =	shalt  }
0x43: {  	_ =	shalt  }
0x44: {  	_ =	shalt  }
0x45: {  	_ =	shalt  }
0x46: {  	_ =	shalt  }
0x47: {  	_ =	shalt  }
0x48: {  	_ =	shalt  }
0x49: {  	_ =	shalt  }
0x4a: {  	_ =	shalt  }
0x4b: {  	_ =	shalt  }
0x4c: {  	_ =	shalt  }
0x4d: {  	_ =	shalt  }
0x4e: {  	_ =	shalt  }
0x4f: {  	_ =	shalt  }
0x50: {  	_ =	shalt  }
0x51: {  	_ =	shalt  }
0x52: {  	_ =	shalt  }
0x53: {  	_ =	shalt  }
0x54: {  	_ =	shalt  }
0x55: {  	_ =	shalt  }
0x56: {  	_ =	shalt  }
0x57: {  	_ =	shalt  }
0x58: {  	_ =	shalt  }
0x59: {  	_ =	shalt  }
0x5a: {  	_ =	shalt  }
0x5b: {  	_ =	shalt  }
0x5c: {  	_ =	shalt  }
0x5d: {  	_ =	shalt  }
0x5e: {  	_ =	shalt  }
0x5f: {  	_ =	shalt  }
0x60: {  	_ =	shalt  }
0x61: {  	_ =	shalt  }
0x62: {  	_ =	shalt  }
0x63: {  	_ =	shalt  }
0x64: {  	_ =	shalt  }
0x65: {  	_ =	shalt  }
0x66: {  	_ =	shalt  }
0x67: {  	_ =	shalt  }
0x68: {  	_ =	shalt  }
0x69: {  	_ =	shalt  }
0x6a: {  	_ =	shalt  }
0x6b: {  	_ =	shalt  }
0x6c: {  	_ =	shalt  }
0x6d: {  	_ =	shalt  }
0x6e: {  	_ =	shalt  }
0x6f: {  	_ =	shalt  }
0x70: {  	_ =	shalt  }
0x71: {  	_ =	shalt  }
0x72: {  	_ =	shalt  }
0x73: {  	_ =	shalt  }
0x74: {  	_ =	shalt  }
0x75: {  	_ =	shalt  }
0x76: {  	_ =	shalt  }
0x77: {  	_ =	shalt  }
0x78: {  	_ =	shalt  }
0x79: {  	_ =	shalt  }
0x7a: {  	_ =	shalt  }
0x7b: {  	_ =	shalt  }
0x7c: {  	_ =	shalt  }
0x7d: {  	_ =	shalt  }
0x7e: {  	_ =	shalt  }
0x7f: {  	_ =	shalt  }
0x80: {  	_ =	shalt  }
0x81: {  	_ =	shalt  }
0x82: {  	_ =	shalt  }
0x83: {  	_ =	shalt  }
0x84: {  	_ =	shalt  }
0x85: {  	_ =	shalt  }
0x86: {  	_ =	shalt  }
0x87: {  	_ =	shalt  }
.Lfunc_end0:
.L_simem_size_0:
called_computation_lowered:
.L_overlay_start_0:
0x88: {  	s2 =	sld [smem:$0x3FD9]  }
0x89: {  	s3 =	sld [smem:$0x3FFE];
	_ =	sdelay $0x1  }
0x8a: {  	s1 =	srdreg.scid  }
0x8b: {  	s0 =	sand.u32 $0x1, s1  }
0x8c: {  	s13 =	sshll.u32 s0, $0xA;
	s2 =	sadd.s32 s3, s2  }
0x8d: {  	s2 =	sadd.s32 s2, s13  }
0x8e: {  	[smem:$0x3FB3] =	sst s2  }
0x8f: {  	_ = 	snop  }
0x90: {  	s2 =	sld [smem:$0x3FD0];
	_ =	sdelay $0x2  }
0x91: {  	s14 =	simm.s32 $0xA;
	s4 =	simm.s32 $0x10  }
0x92: {  	[smem:s4], [sflag:s14] =	dma.local [hbm:s2], $0x1  }
0x93: {  	_ =	swait.eq [sflag:s14], $0x1  }
0x94: {  	[sflag:s14] =	ssyncset.done $0x0  }
0x95: {  	[sflag:s14] =	ssyncadd.s32 $0xFFFFFFFF  }
0x96: {  	s15 =	sld [smem:$0x10];
	(tm) =	ssettm $0x1  }
0x97: {  	s16 =	sld [smem:$0x3FFB];
	_ =	sdelay $0x3  }
0x98: {  	_ =	strace s16  }
0x99: {  	s3 =	sld [smem:$0x3FFC];
	_ =	sdelay $0x3  }
0x9a: {  	_ =	strace s3  }
0x9b: {  	s3 =	sld [smem:$0x3FFD];
	_ =	sdelay $0x3  }
0x9c: {  	_ =	strace s3  }
0x9d: {  	_ =	strace $0x8FFFFFFF  }
0x9e: {  	s17 =	sld [smem:$0x3FDB];
	_ =	sdelay $0x1  }
0x9f: {  	s18 =	simm.s32 $_scs_section_size  }
0xa0: {  	s5 =	simm.s32 $_size__tile_overlayer_lowered;
	s6 =	simm.s32 $_tile_overlayer_lowered  }
0xa1: {  	s21 =	simm.s32 $0x1BFF;
	s20 =	sshll.u32 s6, $0x1;
	s3 =	sadd.s32 s18, s17  }
0xa2: {  	s7 =	simm.s32 $0x0;
	s19 =	sshll.u32 s5, $0x1;
	s5 =	sadd.s32 s20, s3  }
0xa3: {  	[timem:s7], [sflag:s21] =	dma.local [hbm:s5], s19  }
0xa4: {  	_ =	swait.ge [sflag:s21], s19  }
0xa5: {  	s4 =	ssub.s32 $0x0, s19;
	[sflag:s21] =	ssyncset.done $0x0  }
0xa6: {  	[sflag:s21] =	ssyncadd.s32 s4;
	_ =	sdelay $0x1  }
0xa7: {  	s22 =	simm.s32 $0x1B8B  }
0xa8: {  	_ =	swait.ge [sflag:s22], $0x1  }
0xa9: {  	[sflag:s22] =	ssyncset.done $0x0  }
0xaa: {  	s23 =	sld [smem:$0x3FFE];
	[sflag:s22] =	ssyncadd.s32 $0xFFFFFFFF  }
0xab: {  	s25 =	simm.s32 $0x1B8E;
	s24 =	sld [smem:$0x0]  }
0xac: {  	s26 =	simm.s32 $execute0_lowered;
	[smem:$0x3FD2] =	sst s25  }
0xad: {  	s6 =	sshll.u32 s26, $0x1;
	_ =	strace $0x8000004C;
	[dreg:$0x1] =	wrdreg $0xFFFFFFFF  }
0xae: {  	s28 =	simm.s32 $_size_execute0_lowered;
	s3 =	sadd.s32 s3, s6;
	[dreg:$0x0] =	wrdreg $0x0  }
0xaf: {  	s6 =	sshll.u32 s28, $0x1;
	[dreg:$0x2] =	wrdreg s3  }
0xb0: {  	[dreg:$0x3] =	wrdreg s6  }
0xb1: {  	[dreg:$0x4] =	wrdreg $0xC0  }
0xb2: {  	_ =	task [dreg:s7], $0x5FFFF  }
0xb3: {  	[dreg:$0x1] =	wrdreg $0xFFFFFFFF  }
0xb4: {  	[dreg:$0x0] =	wrdreg $0x60  }
0xb5: {  	[dreg:$0x2] =	wrdreg s15  }
0xb6: {  	[dreg:$0x3] =	wrdreg s23  }
0xb7: {  	[dreg:$0x4] =	wrdreg s1  }
0xb8: {  	[dreg:$0x5] =	wrdreg s24  }
0xb9: {  	[dreg:$0x6] =	wrdreg $0x9  }
0xba: {  	_ =	task.clear_ibuf [dreg:s7], $0x7FFFF;
	_ =	strace $0x9000004C  }
0xbb: {  	s29 =	simm.s32 $0x9;
	_ =	strace $0x8000004E  }
0xbc: {  	_ =	swait.ge [sflag:s29], $0x1  }
0xbd: {  	[sflag:s29] =	ssyncadd.s32 $0xFFFFFFFF  }
0xbe: {  	_ =	strace $0x9000004E  }
0xbf: {  	_ =	sfence  }
0xc0: {  	s30 =	sld [smem:$0x0];
	_ =	sdelay $0x2  }
0xc1: {  	s31 =	sshll.u32 s1, $0xD;
	s1 =	sshrl.u32 s1, $0x2  }
0xc2: {  	s3 =	sand.u32 $0x4000, s31;
	s1 =	sadd.s32 s1, s30  }
0xc3: {  	s0 =	sor.u32 s3, s0;
	s1 =	sshll.u32 s1, $0x11  }
0xc4: {  	s0 =	sor.u32 s1, s0  }
0xc5: {  	s0 =	sadd.s32 $0x8F2B, s0  }
0xc6: {  	[sflag:s0] =	ssyncadd.remote.s32 $0x1  }
0xc7: {  	_ =	sfence.sel $0xFFFF  }
0xc8: {  	[dreg:$0x0] =	wrdreg $0xFFFFFFFF;
	(pc) =	sbr.abs _section_cstart, $3  }
0xc9: {  	[dreg:$0x1] =	wrdreg $0xFFFFFFFF  }
0xca: {  	_ =	task.clear_ibuf [dreg:s7], $0x2FFFF;
	_ =	strace $0x9FFFFFFF  }
0xcb: {  	(tm) =	ssettm $0x7FFFFFFF  }
tec
execute0_lowered:
.L_overlay_start_1:
0x0: {  	(tag) =	ssettag $0x1  }
0x1: {  	s1 =	rddreg [dreg:$0x0]  }
0x2: {  	s2 =	rddreg [dreg:$0x1]  }
0x3: {  	s3 =	rddreg [dreg:$0x2];
	_ =	strace $0x8000004D;
	s0 =	simm.s32 $0x1  }
0x4: {  	v0 =	vimm.s32 $0x0;
	[sflag:s0] =	ssyncpa.u1 $0x0;
	s0 =	simm.s32 $0x108  }
0x5: {  	[tilespmem:s0+$0x70] =	vst v0  }
0x6: {  	[tilespmem:s0+$0x60] =	vst v0  }
0x7: {  	[tilespmem:s0+$0x50] =	vst v0  }
0x8: {  	[tilespmem:s0+$0x40] =	vst v0  }
0x9: {  	[tilespmem:s0+$0x30] =	vst v0  }
0xa: {  	s15 =	sadd.s32 $0x75F400, s2;
	s6 =	sadd.s32 $0x9DA400, s2;
	[tilespmem:s0+$0x20] =	vst v0  }
0xb: {  	s14 =	sadd.s32 $0x764400, s2;
	s5 =	sand.u32 $0x1, s3;
	s3 =	simm.s32 $0x40;
	[tilespmem:s0+$0x10] =	vst v0  }
.LBB2_1:
0xc: {  	s3 =	sadd.s32 $0x40, s3;
	[tilespmem:s0+$0x0] =	vst v0;
	s0 =	sadd.s32 $0x80, s0  }
0xd: {  	p0 =	slt.u32 s3, $0x3C40;
	[tilespmem:s0+$0x70] =	vst v0  }
0xe: {  	[tilespmem:s0+$0x60] =	vst v0  }
.Ltmp0:
0xf: {  	[tilespmem:s0+$0x50] =	vst v0;
	(pc) =	sbr.rel @p0 .LBB2_1-.Ltmp0, $4  }
0x10: {  	[tilespmem:s0+$0x40] =	vst v0  }
0x11: {  	[tilespmem:s0+$0x30] =	vst v0  }
0x12: {  	[tilespmem:s0+$0x20] =	vst v0  }
0x13: {  	[tilespmem:s0+$0x10] =	vst v0  }
0x14: {  	s9 =	stileid.u32  }
0x15: {  	s2 =	smul.u32 $0x14, s9  }
0x16: {  	s3 =	smin.u32 s9, $0xE  }
0x17: {  	s2 =	sadd.s32 s3, s2  }
0x18: {  	p0 =	slt.u32 s9, $0xE;
	s7 =	smul.u32 $0xF0, s2;
	s2 =	simm.s32 $0x13B0  }
0x19: {  	s2 =	simm.s32 @!p0 $0x12C0  }
0x1a: {  	s2 =	sadd.s32 s2, s7  }
0x1b: {  	s8 =	smin.u32 s2, $0x13880  }
0x1c: {  	s2 =	ssub.s32 s8, s7  }
0x1d: {  	p0 =	sgt.s32 s2, $0x0  }
0x1e: {  	s29 =	simm.s32 $0x2;
	s10 =	simm.s32 $0x9;
	s2 =	simm.s32 @!p0 $0x0  }
0x1f: {  	s4 =	simm.s32 $0xA;
	s11 =	simm.s32 $0xB;
	s28 =	smulhi.u32 $0x88888889, s2  }
0x20: {  	[dreg:$0x5] =	wrdreg s5;
	s31 =	smul.u32 $0x2710, s5;
	s12 =	simm.s32 $0x1  }
0x21: {  	s22 =	simm.s32 $0x0;
	s18 =	simm.s32 $0xC;
	s30 =	sshrl.u32 s28, $0x7  }
0x22: {  	s20 =	simm.s32 $0x0;
	s21 =	simm.s32 $0x0;
	s3 =	smul.u32 $0xF0, s30  }
.Ltmp1:
0x23: {  	[tilespmem:s0+$0x0] =	vst v0;
	v0 =	vimm.s32 $0xFFFFFFFF;
	[sflag:s29] =	ssyncpa.u1 $0x0;
	s16 =	sshll.u32 s9, $0x8;
	(pc) =	sbr.rel .LBB2_3-.Ltmp1, $4  }
0x24: {  	[tilespmem:$0xF208] =	vst v0;
	[sflag:s10] =	ssyncpa.u1 $0x0;
	p0 =	sne.s32 s2, s3;
	s2 =	simm.s32 $0x1  }
0x25: {  	s14 =	sadd.s32 s31, s14;
	[sflag:s4] =	ssyncpa.u1 $0x0;
	s2 =	simm.s32 @!p0 $0x0  }
0x26: {  	s15 =	sadd.s32 s31, s15;
	[sflag:s11] =	ssyncpa.u1 $0x0;
	s13 =	sadd.s32 s2, s30  }
0x27: {  	v0 =	vlaneseq.u32;
	s19 =	smov.u32 s7;
	p0 =	por $0x0, $0x0;
	s17 =	sadd.s32 $0x1, s13  }
.LBB2_18:
0x28: {  	s0 =	sshrl.u32 s31, $0x2  }
.LBB2_20:
0x29: {  	_ =	swait.ge [sflag:s18], s0  }
0x2a: {  	s31 =	ssub.s32 $0x0, s0;
	v1 =	vmov s24;
	vm0 =	veq.s32 v0, $0x0;
	[sflag:s18] =	ssyncset.done $0x0  }
0x2b: {  	vm15 =	veq.s32 v0, $0x2;
	v1 =	vsel vm0, s30, v1;
	[sflag:s18] =	ssyncadd.s32 s31  }
0x2c: {  	v1 =	vsel vm15, s22, v1;
	[sflag:s18] =	ssyncpa.u1 $0x1  }
0x2d: {  	[tilespmem:$0xF208] =	vst v1  }
.LBB2_21:
0x2e: {  	s0 =	sadd.s32 $0xF0, s19  }
0x2f: {  	s2 =	smov.u32 s7;
	p1 =	slt.s32 s0, s8  }
0x30: {  	s2 =	smov.u32 @p1 s0;
	p1 =	sne.s32 s21, s17  }
.Ltmp2:
0x31: {  	_ = 	snop;
	(pc) =	sbr.rel @!p1 .LBB2_22-.Ltmp2, $3  }
0x32: {  	_ =	sdelay $0x1  }
0x33: {  	s22 =	smov.u32 s20;
	s31 =	sadd.s32 $0x1, s21;
	s20 =	smov.u32 s19  }
0x34: {  	p0 =	por !p0, !p0;
	s21 =	smov.u32 s31;
	s19 =	smov.u32 s2  }
.LBB2_3:
0x35: {  	p1 =	sge.u32 s21, s13  }
0x36: {  	s0 =	smulhi.u32 @!p1 $0xAAAAAAAB, s21  }
0x37: {  	s2 =	smov.u32 s19;
	p2 =	sgt.s32 @!p1 s19, $0x13790  }
0x38: {  	s3 =	sshra.s32 @!p1 s19, $0x1F;
	p2 =	por !p2, p1;
	s0 =	sshrl.u32 @!p1 s0, $0x1  }
0x39: {  	s3 =	sand.u32 @!p1 s3, s19;
	s2 =	simm.s32 @p2 $0x13790;
	s0 =	smul.u32 @!p1 $0x3, s0  }
0x3a: {  	s2 =	ssub.s32 @!p1 s2, s3  }
0x3b: {  	s2 =	sadd.s32 @!p1 $0xFFFEC870, s2;
	s0 =	ssub.s32 @!p1 s21, s0  }
0x3c: {  	s3 =	sshll.u32 @!p1 s2, $0x2;
	p2 =	sgt.s32 @!p1 s2, $0xEF;
	s0 =	smul.u32 @!p1 $0x3C0, s0  }
0x3d: {  	s4 =	sand.u32 @!p1 $0x7, s19;
	s2 =	ssub.s32 @!p1 $0x3C0, s3;
	p2 =	por !p2, p1  }
0x3e: {  	s3 =	sshrl.u32 @!p1 s19, $0x3;
	s2 =	sshrl.u32 @!p1 s2, $0x2;
	s0 =	sshrl.u32 @!p1 s0, $0x2  }
0x3f: {  	s3 =	sadd.s32 @!p1 s3, s14;
	s2 =	simm.s32 @!p2 $0x0;
	s0 =	sadd.s32 @!p1 $0x10248, s0  }
0x40: {  	[tilespmem:s0], [sflag:$0xA] =	stream.linear.gather @!p1 [hbm4b:s3+s4], s2, $0x38;
	[tilespmem:$0x1F6F8] =	vst v63  }
0x41: {  	s0 =	sadd.s32 $0xFFFFFFFF, s21  }
0x42: {  	p1 =	sge.u32 s0, s13  }
0x43: {  	p2 =	sgt.s32 @!p1 s20, $0x13790  }
0x44: {  	s2 =	smov.u32 s20;
	s3 =	sshra.s32 @!p1 s20, $0x1F;
	p2 =	por !p2, p1  }
0x45: {  	s3 =	sand.u32 @!p1 s3, s20;
	s2 =	simm.s32 @p2 $0x13790  }
0x46: {  	s2 =	ssub.s32 @!p1 s2, s3  }
0x47: {  	s2 =	sadd.s32 @!p1 $0xFFFEC870, s2  }
0x48: {  	s4 =	sand.u32 @!p1 $0x1, s0;
	s3 =	sshll.u32 @!p1 s2, $0x2  }
0x49: {  	p2 =	sgt.s32 @!p1 s2, $0xEF;
	s2 =	ssub.s32 @!p1 $0x3C0, s3;
	s3 =	smulhi.u32 @!p1 $0xAAAAAAAB, s0  }
0x4a: {  	s23 =	smul.u32 @!p1 $0x3C0, s4;
	p2 =	por !p2, p1;
	s2 =	sshrl.u32 @!p1 s2, $0x2  }
0x4b: {  	s5 =	simm.s32 @!p1 $0xA;
	s2 =	simm.s32 @!p2 $0x0;
	s3 =	sshrl.u32 @!p1 s3, $0x1  }
0x4c: {  	s23 =	sshrl.u32 @!p1 s23, $0x2;
	_ =	swait.ge @!p1 [sflag:s5], s2;
	s3 =	smul.u32 @!p1 $0x3, s3  }
0x4d: {  	s23 =	sadd.s32 @!p1 $0x10518, s23;
	s24 =	ssub.s32 @!p1 $0x0, s2;
	[sflag:s5] =	ssyncset.done @!p1 $0x0  }
0x4e: {  	[sflag:s5] =	ssyncadd.s32 @!p1 s24;
	s5 =	sshrl.u32 @!p1 s20, $0x3;
	s0 =	ssub.s32 @!p1 s0, s3  }
0x4f: {  	s24 =	sand.u32 @!p1 $0x7, s20;
	s5 =	sadd.s32 @!p1 s5, s15;
	s0 =	smul.u32 @!p1 $0x3C0, s0  }
0x50: {  	[tilespmem:s23], [sflag:$0xB] =	stream.linear.gather @!p1 [hbm4b:s5+s24], s2, $0x38;
	[tilespmem:$0x1F6F8] =	vst v63  }
0x51: {  	s3 =	ssub.s32 @!p1 $0x13880, s20;
	s2 =	smul.u32 @!p1 $0x1E000, s4  }
0x52: {  	p2 =	slt.s32 @!p1 s3, $0xF0  }
0x53: {  	p2 =	por !p2, p1;
	s0 =	sshrl.u32 @!p1 s0, $0x2;
	s2 =	sshrl.u32 @!p1 s2, $0x2  }
0x54: {  	s3 =	simm.s32 @p2 $0xF0;
	s0 =	sadd.s32 @!p1 $0x10248, s0;
	s2 =	sor.u32 @!p1 $0x106F8, s2  }
0x55: {  	[tilespmem:s2], [sflag:$0x9] =	stream.indirect.gather @!p1 [hbm4b:s6+s3], $0x80, s0, s3, $0xb8;
	[tilespmem:$0x1F6F8] =	vst v63  }
0x56: {  	p1 =	slt.u32 s21, $0x2  }
.Ltmp3:
0x57: {  	_ = 	snop;
	(pc) =	sbr.rel @p1 .LBB2_21-.Ltmp3, $1  }
0x58: {  	_ =	sdelay $0x3  }
0x59: {  	p1 =	sgt.s32 s22, $0x13790  }
0x5a: {  	s0 =	smov.u32 s22;
	s2 =	sshra.s32 s22, $0x1F;
	s3 =	ssub.s32 $0x13880, s22  }
0x5b: {  	s0 =	simm.s32 @!p1 $0x13790;
	s2 =	sand.u32 s2, s22;
	p1 =	slt.s32 s3, $0xF0  }
0x5c: {  	s0 =	ssub.s32 s0, s2;
	s3 =	simm.s32 @!p1 $0xF0  }
0x5d: {  	s0 =	sadd.s32 $0xFFFEC870, s0;
	s25 =	sshll.u32 s3, $0x7  }
0x5e: {  	s26 =	sshll.u32 s0, $0x2;
	s2 =	sand.u32 $0x3FFFFF80, s25  }
0x5f: {  	p1 =	sgt.s32 s0, $0xEF;
	s29 =	ssub.s32 $0x3C0, s26;
	_ =	swait.ge [sflag:s10], s2  }
0x60: {  	s2 =	ssub.s32 $0x0, s2;
	[sflag:s10] =	ssyncset.done $0x0;
	s0 =	sshrl.u32 s29, $0x2  }
0x61: {  	[sflag:s10] =	ssyncadd.s32 s2;
	s0 =	simm.s32 @p1 $0x0  }
0x62: {  	_ =	swait.ge [sflag:s11], s0  }
0x63: {  	s0 =	ssub.s32 $0x0, s0;
	[sflag:s11] =	ssyncset.done $0x0  }
0x64: {  	[sflag:s11] =	ssyncadd.s32 s0  }
0x65: {  	v1 =	vld [tilespmem:$0xF208];
	_ =	sdelay $0x4  }
0x66: {  	(v2sf) =	vpush v1, $0x0  }
0x67: {  	(v2sf) =	vpush v1, $0x1  }
0x68: {  	(v2sf) =	vpush v1, $0x2;
	_ =	sdelay $0x3  }
0x69: {  	s0 =	sadd.s32 $0xF0, s22  }
0x6a: {  	s2 =	ssub.s32 $0x27100, s22;
	p1 =	slt.s32 s8, s0  }
0x6b: {  	s0 =	smov.u32 @p1 s8;
	p1 =	sgt.s32 s2, $0x0  }
0x6c: {  	s26 =	ssub.s32 s0, s22;
	s2 =	simm.s32 @!p1 $0x0  }
0x6d: {  	p1 =	slt.s32 s2, s26  }
0x6e: {  	s26 =	smov.u32 @p1 s2  }
0x6f: {  	s25 =	simm.s32 $0x1;
	p1 =	slt.s32 s26, $0x1  }
.Ltmp4:
0x70: {  	s25 =	simm.s32 @!p0 $0x0;
	(pc) =	sbr.rel @p1 .LBB2_8-.Ltmp4, $4  }
0x71: {  	s31 =	smul.u32 $0x3C0, s25  }
0x72: {  	s28 =	spop (v2sf)  }
0x73: {  	s0 =	sshrl.u32 s31, $0x2;
	s30 =	spop (v2sf)  }
0x74: {  	s23 =	sadd.s32 $0x10518, s0;
	s22 =	spop (v2sf)  }
0x75: {  	s0 =	smin.u32 s26, $0x10  }
0x76: {  	v1 =	vmov s0  }
0x77: {  	p2 =	sgt.s32 s26, $0x10;
	vm1 =	vgt.u32 v1, v0  }
.Ltmp5:
0x78: {  	_ = 	snop;
	(pc) =	sbr.rel @!p2 .LBB2_7-.Ltmp5, $2  }
0x79: {  	_ =	sdelay $0x2  }
0x7a: {  	s4 =	simm.s32 $0x10;
	s24 =	sadd.s32 $0xFFFFFFF0, s26;
	s0 =	smov.u32 s23;
	vm0 =	vmmov vm1  }
.LBB2_6:
0x7b: {  	s2 =	smin.u32 s24, $0x10;
	s4 =	sadd.s32 $0x10, s4;
	v1 =	vld.msk [tilespmem:s0+$0x0 ss:$0x1], vm1  }
0x7c: {  	v2 =	vmov s2;
	p2 =	slt.s32 s4, s26  }
0x7d: {  	vm1 =	vgt.u32 v2, v0  }
.Ltmp6:
0x7e: {  	(pc) =	sbr.rel @p2 .LBB2_6-.Ltmp6, $3  }
0x7f: {  	_ =	sdelay $0x1  }
0x80: {  	v1 =	vshll.u32 v1, $0x4  }
0x81: {  	s24 =	sadd.s32 $0xFFFFFFF0, s24;
	[tilespmem:s0+$0x0] =	vst.msk vm0, v1;
	s0 =	sadd.s32 $0x10, s0;
	vm0 =	vmmov vm1  }
.LBB2_7:
0x82: {  	_ =	sdelay $0x4  }
0x83: {  	v1 =	vld.msk [tilespmem:s0+$0x0 ss:$0x1], vm1;
	_ =	sdelay $0x4  }
0x84: {  	v1 =	vshll.u32 v1, $0x4  }
0x85: {  	[tilespmem:s0+$0x0] =	vst.msk vm0, v1  }
.LBB2_8:
0x86: {  	s0 =	sand.u32 $0x1, s21  }
0x87: {  	s2 =	smul.u32 $0x7800, s0  }
0x88: {  	p2 =	sne.s32 s30, $0xFFFFFFFF  }
0x89: {  	v1 =	vld @!p2 [tilespmem:s2+$0x106F8];
	_ =	sdelay $0x2  }
0x8a: {  	s0 =	smul.u32 $0xF0, s0;
	_ =	sdelay $0x1  }
0x8b: {  	v2 =	vld.msk @!p2 [tilespmem:s0+$0x10518], $0x1;
	[tilespmem:$0x108] =	vst @!p2 v1  }
0x8c: {  	v1 =	vld @!p2 [tilespmem:s2+$0x10708];
	_ =	sdelay $0x4  }
0x8d: {  	[tilespmem:$0x118] =	vst @!p2 v1  }
0x8e: {  	v1 =	vld @!p2 [tilespmem:s2+$0x10718];
	_ =	sdelay $0x4  }
0x8f: {  	[tilespmem:$0x128] =	vst @!p2 v1  }
0x90: {  	v1 =	vld @!p2 [tilespmem:s2+$0x10728];
	_ =	sdelay $0x4  }
0x91: {  	[tilespmem:$0x138] =	vst @!p2 v1  }
0x92: {  	v1 =	vld @!p2 [tilespmem:s2+$0x10738];
	_ =	sdelay $0x4  }
0x93: {  	[tilespmem:$0x148] =	vst @!p2 v1  }
0x94: {  	(v2sf) =	vpush @!p2 v2, $0x0;
	v1 =	vld @!p2 [tilespmem:s2+$0x10748];
	_ =	sdelay $0x4  }
0x95: {  	[tilespmem:$0x158] =	vst @!p2 v1  }
0x96: {  	v1 =	vld @!p2 [tilespmem:s2+$0x10758];
	_ =	sdelay $0x4  }
0x97: {  	[tilespmem:$0x168] =	vst @!p2 v1  }
0x98: {  	v1 =	vld @!p2 [tilespmem:s2+$0x10768]  }
.Ltmp7:
0x99: {  	_ = 	snop;
	(pc) =	sbr.rel @p1 .LBB2_19-.Ltmp7, $4  }
0x9a: {  	_ = 	snop  }
0x9b: {  	s29 =	spop @!p2 (v2sf)  }
0x9c: {  	s22 =	simm.s32 @!p2 $0x0;
	s24 =	smov.u32 s29  }
0x9d: {  	s29 =	smov.u32 @p2 s28;
	s24 =	smov.u32 @p2 s30;
	[tilespmem:$0x178] =	vst @!p2 v1;
	[sflag:s18] =	ssyncpa.u1 $0x0  }
0x9e: {  	v1 =	vld.msk [tilespmem:s23+$0x0], $0x1;
	_ =	sdelay $0x4  }
0x9f: {  	(v2sf) =	vpush v1, $0x0;
	_ =	sdelay $0xe  }
0xa0: {  	s2 =	smul.u32 $0x1E000, s25;
	s0 =	spop (v2sf)  }
0xa1: {  	s26 =	ssub.s32 $0x0, s26;
	p1 =	seq.s32 s29, s0  }
0xa2: {  	s30 =	sadd.s32 $0x1, s26;
	s2 =	sshrl.u32 s2, $0x2;
	p2 =	sgt.s32 @!p1 s29, $0x0  }
0xa3: {  	s25 =	sor.u32 $0x10738, s2;
	s2 =	smov.u32 s29;
	p2 =	por !p2, p1  }
0xa4: {  	s2 =	simm.s32 @p2 $0x0;
	p2 =	seq.s32 s30, $0x0  }
.Ltmp8:
0xa5: {  	_ = 	snop;
	(pc) =	sbr.rel @p2 .LBB2_11-.Ltmp8, $4  }
0xa6: {  	_ = 	snop  }
0xa7: {  	s28 =	simm.s32 $0x0;
	s31 =	sadd.s32 $0x1, s23;
	s2 =	smin.u32 @!p1 s2, $0x270F0  }
0xa8: {  	s4 =	simm.s32 @!p1 $0x1;
	s5 =	simm.s32 @!p1 $0x7988;
	s3 =	sand.u32 @!p1 $0x3FFF8, s2  }
0xa9: {  	s4 =	smov.u32 @p1 s28;
	s2 =	sand.u32 @!p1 $0x7, s2;
	s3 =	sadd.s32 @!p1 s1, s3  }
.LBB2_10:
0xaa: {  	s9 =	smov.u32 s4  }
0xab: {  	[tilespmem:s5], [sflag:$0x2] =	stream.linear.gather @!p1 [hbm4b:s3+s2], $0x80, $0x38;
	[tilespmem:$0x1F6F8] =	vst v63  }
0xac: {  	s30 =	sadd.s32 $0x1, s30;
	s2 =	smov.u32 s0;
	v1 =	vld.msk [tilespmem:s31+$0x0], $0x1  }
0xad: {  	p2 =	seq.s32 s30, $0x0;
	_ =	sdelay $0x3  }
0xae: {  	(v2sf) =	vpush v1, $0x0;
	_ =	sdelay $0xe  }
0xaf: {  	s0 =	spop (v2sf)  }
0xb0: {  	p1 =	seq.s32 s2, s0  }
0xb1: {  	p3 =	sgt.s32 @!p1 s2, $0x0;
	s3 =	sshll.u32 @!p1 s4, $0x9;
	s4 =	sadd.s32 @!p1 $0x1, s4  }
.Ltmp9:
0xb2: {  	p3 =	por !p3, p1;
	s3 =	sshra.s32 @!p1 s3, $0x2;
	(pc) =	sbr.rel @!p2 .LBB2_10-.Ltmp9, $4  }
0xb3: {  	s4 =	smov.u32 @p1 s9;
	s2 =	simm.s32 @p3 $0x0;
	s5 =	sadd.s32 @!p1 $0x7988, s3  }
0xb4: {  	s2 =	smin.u32 @!p1 s2, $0x270F0  }
0xb5: {  	s3 =	sand.u32 @!p1 $0x3FFF8, s2;
	s2 =	sand.u32 @!p1 $0x7, s2  }
0xb6: {  	s31 =	sadd.s32 $0x1, s31;
	s3 =	sadd.s32 @!p1 s1, s3  }
.LBB2_11:
0xb7: {  	[tilespmem:s5], [sflag:$0x2] =	stream.linear.gather @!p1 [hbm4b:s3+s2], $0x80, $0x38;
	[tilespmem:$0x1F6F8] =	vst v63  }
.Ltmp10:
0xb8: {  	s0 =	sshll.u32 s4, $0x7;
	(pc) =	sbr.rel .LBB2_12-.Ltmp10, $4  }
0xb9: {  	s30 =	simm.s32 $0x2;
	s0 =	sand.u32 $0x3FFFFF80, s0  }
0xba: {  	_ =	swait.ge [sflag:s30], s0  }
0xbb: {  	s0 =	ssub.s32 $0x0, s0;
	[sflag:s30] =	ssyncset.done $0x0  }
0xbc: {  	s31 =	simm.s32 $0x0;
	[sflag:s30] =	ssyncadd.s32 s0  }
.LBB2_13:
0xbd: {  	s0 =	sshra.s32 s0, $0x2;
	v1 =	vld [tilespmem:s25+$0xFFFFFFC0]  }
0xbe: {  	v2 =	vld [tilespmem:s0+$0x108];
	_ =	sdelay $0x4  }
0xbf: {  	v1 =	vmax.f32 v1, v2  }
0xc0: {  	v2 =	vld [tilespmem:s0+$0x118];
	[tilespmem:s0+$0x108] =	vst v1  }
0xc1: {  	v1 =	vld [tilespmem:s25+$0xFFFFFFD0];
	_ =	sdelay $0x4  }
0xc2: {  	v1 =	vmax.f32 v1, v2  }
0xc3: {  	v2 =	vld [tilespmem:s0+$0x128];
	[tilespmem:s0+$0x118] =	vst v1  }
0xc4: {  	v1 =	vld [tilespmem:s25+$0xFFFFFFE0];
	_ =	sdelay $0x4  }
0xc5: {  	v1 =	vmax.f32 v1, v2  }
0xc6: {  	v2 =	vld [tilespmem:s0+$0x138];
	[tilespmem:s0+$0x128] =	vst v1  }
0xc7: {  	v1 =	vld [tilespmem:s25+$0xFFFFFFF0];
	_ =	sdelay $0x4  }
0xc8: {  	v1 =	vmax.f32 v1, v2  }
0xc9: {  	v2 =	vld [tilespmem:s0+$0x148];
	[tilespmem:s0+$0x138] =	vst v1  }
0xca: {  	v1 =	vld [tilespmem:s25+$0x0];
	_ =	sdelay $0x4  }
0xcb: {  	v1 =	vmax.f32 v1, v2  }
0xcc: {  	v2 =	vld [tilespmem:s0+$0x158];
	[tilespmem:s0+$0x148] =	vst v1  }
0xcd: {  	v1 =	vld [tilespmem:s25+$0x10];
	_ =	sdelay $0x4  }
0xce: {  	v1 =	vmax.f32 v1, v2  }
0xcf: {  	v2 =	vld [tilespmem:s0+$0x168];
	[tilespmem:s0+$0x158] =	vst v1  }
0xd0: {  	v1 =	vld [tilespmem:s25+$0x20];
	_ =	sdelay $0x4  }
0xd1: {  	v1 =	vmax.f32 v1, v2  }
0xd2: {  	v2 =	vld [tilespmem:s0+$0x178];
	[tilespmem:s0+$0x168] =	vst v1  }
0xd3: {  	v1 =	vld [tilespmem:s25+$0x30];
	_ =	sdelay $0x4  }
0xd4: {  	v1 =	vmax.f32 v1, v2  }
0xd5: {  	[tilespmem:s0+$0x178] =	vst v1  }
.LBB2_17:
0xd6: {  	s26 =	sadd.s32 $0x1, s26  }
0xd7: {  	p1 =	seq.s32 s26, $0x0  }
.Ltmp11:
0xd8: {  	_ = 	snop;
	(pc) =	sbr.rel @p1 .LBB2_18-.Ltmp11, $2  }
0xd9: {  	_ =	sdelay $0x2  }
0xda: {  	s23 =	sadd.s32 $0x1, s23;
	s25 =	sadd.s32 $0x80, s25;
	s29 =	smov.u32 s30  }
.LBB2_12:
0xdb: {  	v1 =	vld.msk [tilespmem:s23+$0x0], $0x1;
	_ =	sdelay $0x4  }
0xdc: {  	(v2sf) =	vpush v1, $0x0;
	_ =	sdelay $0xe  }
0xdd: {  	s30 =	spop (v2sf)  }
0xde: {  	p1 =	sne.s32 s29, s30  }
.Ltmp12:
0xdf: {  	_ = 	snop;
	(pc) =	sbr.rel @!p1 .LBB2_13-.Ltmp12, $2  }
0xe0: {  	_ =	sdelay $0x2  }
0xe1: {  	s0 =	sshll.u32 s22, $0x9  }
0xe2: {  	p1 =	seq.s32 s29, s24  }
.Ltmp13:
0xe3: {  	_ = 	snop;
	(pc) =	sbr.rel @!p1 .LBB2_15-.Ltmp13, $1  }
0xe4: {  	_ =	sdelay $0x3  }
0xe5: {  	s0 =	sshra.s32 s0, $0x2  }
.Ltmp14:
0xe6: {  	s0 =	sadd.s32 $0x108, s0;
	(pc) =	sbr.rel .LBB2_16-.Ltmp14, $4  }
0xe7: {  	[spmem:s16] =	stream.linear.scatter [tilespmem:s0], [sflag:$0x1], $0x80, $0x38;
	[tilespmem:$0x1F6F8] =	vst v63  }
0xe8: {  	_ =	swait.ge [sflag:s12], $0x80  }
0xe9: {  	[sflag:s12] =	ssyncset.done $0x0  }
0xea: {  	[sflag:s12] =	ssyncadd.s32 $0xFFFFFF80  }
.LBB2_15:
0xeb: {  	s2 =	sshll.u32 s28, $0x9;
	s0 =	sshra.s32 s0, $0x2  }
0xec: {  	s2 =	sshra.s32 s2, $0x2;
	v2 =	vld [tilespmem:s0+$0x108]  }
0xed: {  	v1 =	vld [tilespmem:s2+$0x7988];
	_ =	sdelay $0x4  }
0xee: {  	v1 =	vmax.f32 v1, v2  }
0xef: {  	v2 =	vld [tilespmem:s0+$0x118];
	[tilespmem:s0+$0x108] =	vst v1  }
0xf0: {  	v1 =	vld [tilespmem:s2+$0x7998];
	_ =	sdelay $0x4  }
0xf1: {  	v1 =	vmax.f32 v1, v2  }
0xf2: {  	v2 =	vld [tilespmem:s0+$0x128];
	[tilespmem:s0+$0x118] =	vst v1  }
0xf3: {  	v1 =	vld [tilespmem:s2+$0x79A8];
	_ =	sdelay $0x4  }
0xf4: {  	v1 =	vmax.f32 v1, v2  }
0xf5: {  	v2 =	vld [tilespmem:s0+$0x138];
	[tilespmem:s0+$0x128] =	vst v1  }
0xf6: {  	v1 =	vld [tilespmem:s2+$0x79B8];
	_ =	sdelay $0x4  }
0xf7: {  	v1 =	vmax.f32 v1, v2  }
0xf8: {  	v2 =	vld [tilespmem:s0+$0x148];
	[tilespmem:s0+$0x138] =	vst v1  }
0xf9: {  	v1 =	vld [tilespmem:s2+$0x79C8];
	_ =	sdelay $0x4  }
0xfa: {  	v1 =	vmax.f32 v1, v2  }
0xfb: {  	v2 =	vld [tilespmem:s0+$0x158];
	[tilespmem:s0+$0x148] =	vst v1  }
0xfc: {  	v1 =	vld [tilespmem:s2+$0x79D8];
	_ =	sdelay $0x4  }
0xfd: {  	v1 =	vmax.f32 v1, v2  }
0xfe: {  	v2 =	vld [tilespmem:s0+$0x168];
	[tilespmem:s0+$0x158] =	vst v1  }
0xff: {  	v1 =	vld [tilespmem:s2+$0x79E8];
	_ =	sdelay $0x4  }
0x100: {  	v1 =	vmax.f32 v1, v2  }
0x101: {  	v2 =	vld [tilespmem:s0+$0x178];
	[tilespmem:s0+$0x168] =	vst v1  }
0x102: {  	v1 =	vld [tilespmem:s2+$0x79F8];
	_ =	sdelay $0x3  }
0x103: {  	p1 =	sgt.u32 s29, $0x270F0  }
0x104: {  	s2 =	sand.u32 @!p1 $0x3FFF8, s29;
	v1 =	vmax.f32 v1, v2  }
0x105: {  	s3 =	sadd.s32 $0x108, s0;
	[tilespmem:s0+$0x178] =	vst v1;
	s0 =	sadd.s32 @!p1 s1, s2;
	s2 =	sand.u32 @!p1 $0x7, s29  }
0x106: {  	[hbm4b:s0+s2] =	stream.linear.scatter @!p1 [tilespmem:s3], [sflag:$0xC], $0x80, $0x38;
	[tilespmem:$0x1F6F8] =	vst v63  }
0x107: {  	s0 =	simm.s32 $0x0  }
0x108: {  	s0 =	simm.s32 @!p1 $0x200  }
0x109: {  	s31 =	sadd.s32 s0, s31  }
.LBB2_16:
0x10a: {  	s0 =	sadd.s32 $0x1, s22  }
0x10b: {  	s2 =	smulhi.u32 $0x88888889, s0;
	_ =	sdelay $0x1  }
0x10c: {  	v1 =	vld [tilespmem:s25+$0xFFFFFFC0];
	s2 =	sshrl.u32 s2, $0x7  }
0x10d: {  	s2 =	smul.u32 $0xF0, s2;
	_ =	sdelay $0x1  }
0x10e: {  	s22 =	ssub.s32 s0, s2  }
0x10f: {  	s0 =	sshll.u32 s22, $0x7  }
0x110: {  	[tilespmem:s0+$0x108] =	vst v1  }
0x111: {  	v1 =	vld [tilespmem:s25+$0xFFFFFFD0];
	_ =	sdelay $0x4  }
0x112: {  	[tilespmem:s0+$0x118] =	vst v1  }
0x113: {  	v1 =	vld [tilespmem:s25+$0xFFFFFFE0];
	_ =	sdelay $0x4  }
0x114: {  	[tilespmem:s0+$0x128] =	vst v1  }
0x115: {  	v1 =	vld [tilespmem:s25+$0xFFFFFFF0];
	_ =	sdelay $0x4  }
0x116: {  	[tilespmem:s0+$0x138] =	vst v1  }
0x117: {  	v1 =	vld [tilespmem:s25+$0x0];
	_ =	sdelay $0x4  }
0x118: {  	[tilespmem:s0+$0x148] =	vst v1  }
0x119: {  	v1 =	vld [tilespmem:s25+$0x10];
	_ =	sdelay $0x4  }
0x11a: {  	[tilespmem:s0+$0x158] =	vst v1  }
0x11b: {  	v1 =	vld [tilespmem:s25+$0x20];
	_ =	sdelay $0x4  }
0x11c: {  	[tilespmem:s0+$0x168] =	vst v1  }
0x11d: {  	v1 =	vld [tilespmem:s25+$0x30]  }
.Ltmp15:
0x11e: {  	_ = 	snop;
	(pc) =	sbr.rel .LBB2_17-.Ltmp15, $2  }
0x11f: {  	_ =	sdelay $0x2  }
0x120: {  	s28 =	sadd.s32 $0x1, s28;
	[tilespmem:s0+$0x178] =	vst v1  }
.LBB2_19:
.Ltmp16:
0x121: {  	(pc) =	sbr.rel .LBB2_20-.Ltmp16, $4  }
0x122: {  	_ = 	snop  }
0x123: {  	s0 =	simm.s32 $0x2  }
0x124: {  	_ =	swait.ge [sflag:s0], $0x0  }
0x125: {  	s30 =	smov.u32 s29;
	[sflag:s0] =	ssyncset.done $0x0;
	s0 =	simm.s32 $0x0  }
.LBB2_22:
0x126: {  	_ =	sfence.sel $0x180000  }
0x127: {  	s0 =	simm.s32 $0x9;
	[bflag:$0x0] =	sbarrier.arrive $0xFFFF  }
0x128: {  	s24 =	simm.s32 $0xA;
	[sflag:s0] =	ssyncpa.u1 $0x1  }
0x129: {  	s25 =	simm.s32 $0xB;
	[sflag:s24] =	ssyncpa.u1 $0x1  }
0x12a: {  	s26 =	simm.s32 $0x2;
	[sflag:s25] =	ssyncpa.u1 $0x1  }
0x12b: {  	[sflag:s26] =	ssyncpa.u1 $0x1  }
0x12c: {  	v0 =	vld [tilespmem:$0xF208];
	_ =	sdelay $0x4  }
0x12d: {  	(v2sf) =	vpush v0, $0x0  }
0x12e: {  	(v2sf) =	vpush v0, $0x1;
	_ =	sdelay $0x1  }
0x12f: {  	(v2sf) =	vpush v0, $0x2;
	_ =	sdelay $0xb  }
0x130: {  	s0 =	spop (v2sf)  }
0x131: {  	s2 =	spop (v2sf)  }
0x132: {  	s3 =	smov.u32 s0;
	p0 =	sne.s32 s0, s2  }
0x133: {  	s4 =	spop (v2sf);
	s3 =	simm.s32 @!p0 $0xFFFFFFFF  }
0x134: {  	v2 =	vimm.s32 $0x1;
	v3 =	vlaneseq.u32;
	p0 =	seq.s32 s4, $0xFFFFFFFF;
	v1 =	vmov s3  }
0x135: {  	s16 =	stileid.u32;
	v0 =	vperm.xlane v0, v2;
	p1 =	sne.s32 @!p0 s0, s2;
	v1 =	vperm.xlane v1, v3  }
0x136: {  	vm0 =	vcmask $0x3F04;
	s6 =	simm.s32 $0xF208;
	s0 =	simm.s32 @!p0 $0x1;
	p1 =	por !p1, p0  }
0x137: {  	s3 =	sshll.u32 s16, $0x1;
	s2 =	sshll.u32 @!p0 s4, $0x9;
	s0 =	simm.s32 @p1 $0x0;
	v0 =	vsel vm0, v1, v0  }
0x138: {  	s5 =	sor.u32 $0x1000, s3;
	s2 =	sshra.s32 @!p0 s2, $0x2;
	s0 =	sor.u32 @!p0 s0, s3;
	[tilespmem:$0xF208] =	vst v0  }
0x139: {  	[spmem:s5] =	stream.linear.scatter [tilespmem:s6], [sflag:$0x1], $0x2, $0x38;
	[tilespmem:$0x1F6F8] =	vst v63  }
0x13a: {  	s2 =	sadd.s32 @!p0 $0x108, s2;
	s0 =	sshll.u32 @!p0 s0, $0x7  }
0x13b: {  	[spmem:s0] =	stream.linear.scatter @!p0 [tilespmem:s2], [sflag:$0x1], $0x80, $0x38;
	[tilespmem:$0x1F6F8] =	vst v63  }
0x13c: {  	s0 =	simm.s32 @!p0 $0x82  }
0x13d: {  	s28 =	simm.s32 $0x1;
	s0 =	simm.s32 @p0 $0x2  }
0x13e: {  	_ =	swait.ge [sflag:s28], s0  }
0x13f: {  	s0 =	ssub.s32 $0x0, s0;
	[sflag:s28] =	ssyncset.done $0x0  }
0x140: {  	p0 =	sne.s32 s16, $0x0;
	[sflag:s28] =	ssyncadd.s32 s0  }
.Ltmp17:
0x141: {  	_ =	sfence.stream.spmem;
	(pc) =	sbr.rel @p0 .LBB2_39-.Ltmp17, $4  }
0x142: {  	s29 =	simm.s32 $0x3;
	[bflag:$0x0] =	sbarrier.arrive $0xFFFF  }
0x143: {  	s30 =	simm.s32 $0x4;
	[sflag:s29] =	ssyncpa.u1 $0x1  }
0x144: {  	s31 =	simm.s32 $0x3C;
	[sflag:s30] =	ssyncpa.u1 $0x1  }
0x145: {  	s15 =	rddreg [dreg:$0x5];
	[sflag:s31] =	ssyncpa.u1 $0x1  }
0x146: {  	_ =	sfence.stream.spmem;
	s0 =	simm.s32 $0x5  }
0x147: {  	s2 =	simm.s32 $0x1000;
	s3 =	simm.s32 $0xF218;
	[sflag:s0] =	ssyncpa.u1 $0x0  }
0x148: {  	[tilespmem:s3], [sflag:$0x5] =	stream.linear.gather [spmem:s2], $0x20, $0x38;
	[tilespmem:$0x1F6F8] =	vst v63  }
0x149: {  	s26 =	simm.s32 $0x0;
	s28 =	simm.s32 $0xF238  }
0x14a: {  	[tilespmem:s28], [sflag:$0x5] =	stream.linear.gather [spmem:s26], $0x1000, $0x38;
	[tilespmem:$0x1F6F8] =	vst v63  }
0x14b: {  	_ =	swait.ge [sflag:s0], $0x1020  }
0x14c: {  	[sflag:s0] =	ssyncset.done $0x0  }
0x14d: {  	s29 =	simm.s32 $0x0;
	[sflag:s0] =	ssyncadd.s32 $0xFFFFEFE0  }
0x14e: {  	v0 =	vld.msk [tilespmem:s29+$0xF218], $0x1;
	_ =	sdelay $0x1  }
0x14f: {  	s30 =	simm.s32 $0x1  }
0x150: {  	v1 =	vld.msk [tilespmem:s30+$0xF218], $0x1;
	_ =	sdelay $0x1  }
0x151: {  	(v2sf) =	vpush v0, $0x0;
	_ =	sdelay $0x2  }
0x152: {  	(v2sf) =	vpush v1, $0x0;
	_ =	sdelay $0x2  }
0x153: {  	s31 =	simm.s32 $0x2  }
0x154: {  	v0 =	vld.msk [tilespmem:s31+$0xF218], $0x1;
	_ =	sdelay $0x2  }
0x155: {  	s4 =	simm.s32 $0xFFFFFFFF;
	s5 =	simm.s32 $0xFFFFFFFF;
	s0 =	simm.s32 $0xC  }
.LBB2_24:
0x156: {  	s2 =	smov.u32 s5;
	s3 =	smov.u32 s4  }
0x157: {  	s4 =	sshra.s32 s0, $0x2;
	p1 =	sne.s32 s0, $0x7C;
	s0 =	sadd.s32 $0x4, s0;
	(v2sf) =	vpush v0, $0x0  }
0x158: {  	v0 =	vld.msk [tilespmem:s4+$0xF218], $0x1  }
.Ltmp18:
0x159: {  	(pc) =	sbr.rel @p1 .LBB2_24-.Ltmp18, $4  }
0x15a: {  	s5 =	spop (v2sf)  }
0x15b: {  	p2 =	sne.s32 s3, $0xFFFFFFFF;
	s4 =	smov.u32 s5  }
0x15c: {  	p3 =	seq.s32 s5, $0xFFFFFFFF;
	s4 =	smov.u32 @p2 s3  }
0x15d: {  	s5 =	smov.u32 @p3 s2;
	s4 =	smov.u32 @p3 s3  }
0x15e: {  	(v2sf) =	vpush v0, $0x0;
	_ =	sdelay $0x8  }
0x15f: {  	s0 =	spop (v2sf)  }
0x160: {  	p1 =	sne.s32 s4, $0xFFFFFFFF;
	s2 =	smov.u32 s0  }
0x161: {  	s9 =	simm.s32 $0x6;
	p2 =	seq.s32 s0, $0xFFFFFFFF;
	s2 =	smov.u32 @p1 s4  }
0x162: {  	s6 =	simm.s32 $0x0;
	s2 =	smov.u32 @p2 s4;
	s3 =	spop (v2sf)  }
0x163: {  	s0 =	smov.u32 @p2 s5;
	p1 =	sne.s32 s2, $0xFFFFFFFF;
	s4 =	smov.u32 s3  }
.Ltmp19:
0x164: {  	p2 =	seq.s32 s3, $0xFFFFFFFF;
	s4 =	smov.u32 @p1 s2;
	(pc) =	sbr.rel .LBB2_26-.Ltmp19, $4  }
0x165: {  	s10 =	simm.s32 $0xF188;
	s4 =	smov.u32 @p2 s2;
	s7 =	spop (v2sf)  }
0x166: {  	s11 =	simm.s32 $0x0;
	p1 =	sne.s32 s4, $0xFFFFFFFF;
	s8 =	smov.u32 s7  }
0x167: {  	s3 =	smov.u32 @p2 s0;
	p2 =	seq.s32 s7, $0xFFFFFFFF;
	s8 =	smov.u32 @p1 s4  }
0x168: {  	[sflag:s9] =	ssyncpa.u1 $0x0;
	s7 =	smov.u32 @p2 s3;
	s8 =	smov.u32 @p2 s4  }
.LBB2_32:
0x169: {  	p1 =	sgt.u32 s12, $0x270F0  }
0x16a: {  	p2 =	seq.s32 @!p1 s12, s8  }
0x16b: {  	p1 =	por p1, p2  }
0x16c: {  	p2 =	sne.s32 @!p1 s12, s7  }
0x16d: {  	p1 =	por p1, !p2  }
0x16e: {  	s0 =	sshll.u32 @p1 s11, $0x9  }
0x16f: {  	s0 =	sand.u32 @!p1 $0x3FFF8, s12  }
0x170: {  	s2 =	sand.u32 @!p1 $0x7, s12;
	s0 =	sadd.s32 @!p1 s1, s0  }
0x171: {  	[tilespmem:s10], [sflag:$0x6] =	stream.linear.gather @!p1 [hbm4b:s0+s2], $0x80, $0x38;
	[tilespmem:$0x1F6F8] =	vst v63  }
0x172: {  	_ =	swait.ge @!p1 [sflag:s9], $0x80  }
0x173: {  	[sflag:s9] =	ssyncset.done @!p1 $0x0  }
0x174: {  	s0 =	sshll.u32 @!p1 s11, $0x9;
	[sflag:s9] =	ssyncadd.s32 @!p1 $0xFFFFFF80  }
0x175: {  	s2 =	sshrl.u32 @!p1 s0, $0x2;
	v1 =	vld @!p1 [tilespmem:$0xF188]  }
0x176: {  	v2 =	vld @!p1 [tilespmem:s2+$0xF238];
	_ =	sdelay $0x4  }
0x177: {  	v1 =	vmax.f32 @!p1 v1, v2  }
0x178: {  	v2 =	vld @!p1 [tilespmem:s2+$0xF248];
	[tilespmem:s2+$0xF238] =	vst @!p1 v1  }
0x179: {  	v1 =	vld @!p1 [tilespmem:$0xF198];
	_ =	sdelay $0x4  }
0x17a: {  	v1 =	vmax.f32 @!p1 v1, v2  }
0x17b: {  	v2 =	vld @!p1 [tilespmem:s2+$0xF258];
	[tilespmem:s2+$0xF248] =	vst @!p1 v1  }
0x17c: {  	v1 =	vld @!p1 [tilespmem:$0xF1A8];
	_ =	sdelay $0x4  }
0x17d: {  	v1 =	vmax.f32 @!p1 v1, v2  }
0x17e: {  	v2 =	vld @!p1 [tilespmem:s2+$0xF268];
	[tilespmem:s2+$0xF258] =	vst @!p1 v1  }
0x17f: {  	v1 =	vld @!p1 [tilespmem:$0xF1B8];
	_ =	sdelay $0x4  }
0x180: {  	v1 =	vmax.f32 @!p1 v1, v2  }
0x181: {  	v2 =	vld @!p1 [tilespmem:s2+$0xF278];
	[tilespmem:s2+$0xF268] =	vst @!p1 v1  }
0x182: {  	v1 =	vld @!p1 [tilespmem:$0xF1C8];
	_ =	sdelay $0x4  }
0x183: {  	v1 =	vmax.f32 @!p1 v1, v2  }
0x184: {  	v2 =	vld @!p1 [tilespmem:s2+$0xF288];
	[tilespmem:s2+$0xF278] =	vst @!p1 v1  }
0x185: {  	v1 =	vld @!p1 [tilespmem:$0xF1D8];
	_ =	sdelay $0x4  }
0x186: {  	v1 =	vmax.f32 @!p1 v1, v2  }
0x187: {  	v2 =	vld @!p1 [tilespmem:s2+$0xF298];
	[tilespmem:s2+$0xF288] =	vst @!p1 v1  }
0x188: {  	v1 =	vld @!p1 [tilespmem:$0xF1E8];
	_ =	sdelay $0x4  }
0x189: {  	v1 =	vmax.f32 @!p1 v1, v2  }
0x18a: {  	v2 =	vld @!p1 [tilespmem:s2+$0xF2A8];
	[tilespmem:s2+$0xF298] =	vst @!p1 v1  }
0x18b: {  	v1 =	vld @!p1 [tilespmem:$0xF1F8];
	_ =	sdelay $0x4  }
0x18c: {  	v1 =	vmax.f32 @!p1 v1, v2  }
0x18d: {  	[tilespmem:s2+$0xF2A8] =	vst @!p1 v1  }
0x18e: {  	s0 =	sshrl.u32 s0, $0x2;
	[tilespmem:s6+$0xF218] =	vst.msk $0x1, v0  }
0x18f: {  	v0 =	vld [tilespmem:s0+$0xF238];
	_ =	sdelay $0x2  }
0x190: {  	s31 =	sshll.u32 s6, $0x9  }
0x191: {  	s2 =	sshra.s32 s31, $0x2  }
0x192: {  	[tilespmem:s2+$0xF238] =	vst v0  }
0x193: {  	v0 =	vld [tilespmem:s0+$0xF248];
	_ =	sdelay $0x4  }
0x194: {  	[tilespmem:s2+$0xF248] =	vst v0  }
0x195: {  	v0 =	vld [tilespmem:s0+$0xF258];
	_ =	sdelay $0x4  }
0x196: {  	[tilespmem:s2+$0xF258] =	vst v0  }
0x197: {  	v0 =	vld [tilespmem:s0+$0xF268];
	_ =	sdelay $0x4  }
0x198: {  	[tilespmem:s2+$0xF268] =	vst v0  }
0x199: {  	v0 =	vld [tilespmem:s0+$0xF278];
	_ =	sdelay $0x4  }
0x19a: {  	[tilespmem:s2+$0xF278] =	vst v0  }
0x19b: {  	v0 =	vld [tilespmem:s0+$0xF288];
	_ =	sdelay $0x4  }
0x19c: {  	[tilespmem:s2+$0xF288] =	vst v0  }
0x19d: {  	v0 =	vld [tilespmem:s0+$0xF298];
	_ =	sdelay $0x4  }
0x19e: {  	[tilespmem:s2+$0xF298] =	vst v0  }
0x19f: {  	v0 =	vld [tilespmem:s0+$0xF2A8];
	_ =	sdelay $0x4  }
0x1a0: {  	s6 =	sadd.s32 $0x1, s6;
	[tilespmem:s2+$0xF2A8] =	vst v0  }
.LBB2_33:
0x1a1: {  	s11 =	sadd.s32 $0x1, s11  }
0x1a2: {  	p1 =	sne.s32 s11, $0x20  }
.Ltmp20:
0x1a3: {  	_ = 	snop;
	(pc) =	sbr.rel @!p1 .LBB2_34-.Ltmp20, $1  }
0x1a4: {  	_ =	sdelay $0x3  }
.LBB2_26:
0x1a5: {  	v0 =	vld.msk [tilespmem:s11+$0xF218], $0x1;
	_ =	sdelay $0x4  }
0x1a6: {  	(v2sf) =	vpush v0, $0x0;
	_ =	sdelay $0xe  }
0x1a7: {  	s12 =	spop (v2sf)  }
0x1a8: {  	p1 =	seq.s32 s12, $0xFFFFFFFF  }
.Ltmp21:
0x1a9: {  	_ = 	snop;
	(pc) =	sbr.rel @p1 .LBB2_33-.Ltmp21, $1  }
0x1aa: {  	_ =	sdelay $0x3  }
0x1ab: {  	p1 =	slt.s32 s6, $0x1  }
.Ltmp22:
0x1ac: {  	_ = 	snop;
	(pc) =	sbr.rel @p1 .LBB2_32-.Ltmp22, $1  }
0x1ad: {  	_ =	sdelay $0x3  }
0x1ae: {  	s13 =	simm.s32 $0xF218;
	p1 =	por $0x0, $0x0  }
0x1af: {  	v1 =	vld.msk @!p1 [tilespmem:s13+$0x0], $0x1;
	_ =	sdelay $0x4  }
0x1b0: {  	(v2sf) =	vpush @!p1 v1, $0x0;
	_ =	sdelay $0xd  }
0x1b1: {  	p3 =	sne.s32 s6, $0x1  }
.Ltmp23:
0x1b2: {  	s0 =	spop @!p1 (v2sf);
	(pc) =	sbr.rel @!p3 .LBB2_30-.Ltmp23, $4  }
0x1b3: {  	p2 =	seq.s32 @!p1 s12, s0  }
0x1b4: {  	s14 =	simm.s32 $0x0;
	p2 =	por !p2, p1  }
0x1b5: {  	s2 =	simm.s32 $0xFFFFFFFF;
	s14 =	simm.s32 @p2 $0xFFFFFFFF  }
0x1b6: {  	s0 =	simm.s32 $0x1;
	s14 =	smov.u32 @p1 s2  }
.LBB2_29:
0x1b7: {  	s2 =	smov.u32 s14;
	p1 =	sne.s32 s14, $0xFFFFFFFF  }
0x1b8: {  	s13 =	sadd.s32 $0x1, s13;
	s14 =	smov.u32 s0;
	s0 =	sadd.s32 $0x1, s0  }
0x1b9: {  	p2 =	sne.s32 s6, s0;
	v1 =	vld.msk @!p1 [tilespmem:s13+$0x0], $0x1;
	_ =	sdelay $0x4  }
0x1ba: {  	(v2sf) =	vpush @!p1 v1, $0x0;
	_ =	sdelay $0xe  }
.Ltmp24:
0x1bb: {  	s3 =	spop @!p1 (v2sf);
	(pc) =	sbr.rel @p2 .LBB2_29-.Ltmp24, $4  }
0x1bc: {  	p3 =	seq.s32 @!p1 s12, s3  }
0x1bd: {  	p3 =	por !p3, p1  }
0x1be: {  	s14 =	simm.s32 @p3 $0xFFFFFFFF  }
0x1bf: {  	s14 =	smov.u32 @p1 s2  }
.LBB2_30:
0x1c0: {  	p1 =	seq.s32 s14, $0xFFFFFFFF  }
.Ltmp25:
0x1c1: {  	_ = 	snop;
	(pc) =	sbr.rel @p1 .LBB2_32-.Ltmp25, $1  }
0x1c2: {  	_ =	sdelay $0x3  }
0x1c3: {  	s0 =	sshll.u32 s11, $0x7  }
0x1c4: {  	s2 =	sshll.u32 s14, $0x9;
	s0 =	sand.u32 $0x3FFFFF80, s0  }
0x1c5: {  	s2 =	sshra.s32 s2, $0x2;
	v0 =	vld [tilespmem:s0+$0xF238]  }
0x1c6: {  	v1 =	vld [tilespmem:s2+$0xF238];
	_ =	sdelay $0x4  }
0x1c7: {  	v0 =	vmax.f32 v0, v1  }
0x1c8: {  	v57 =	vld [tilespmem:s2+$0xF248];
	[tilespmem:s2+$0xF238] =	vst v0  }
0x1c9: {  	v0 =	vld [tilespmem:s0+$0xF248];
	_ =	sdelay $0x4  }
0x1ca: {  	v0 =	vmax.f32 v0, v57  }
0x1cb: {  	v58 =	vld [tilespmem:s2+$0xF258];
	[tilespmem:s2+$0xF248] =	vst v0  }
0x1cc: {  	v0 =	vld [tilespmem:s0+$0xF258];
	_ =	sdelay $0x4  }
0x1cd: {  	v0 =	vmax.f32 v0, v58  }
0x1ce: {  	v59 =	vld [tilespmem:s2+$0xF268];
	[tilespmem:s2+$0xF258] =	vst v0  }
0x1cf: {  	v0 =	vld [tilespmem:s0+$0xF268];
	_ =	sdelay $0x4  }
0x1d0: {  	v0 =	vmax.f32 v0, v59  }
0x1d1: {  	v60 =	vld [tilespmem:s2+$0xF278];
	[tilespmem:s2+$0xF268] =	vst v0  }
0x1d2: {  	v0 =	vld [tilespmem:s0+$0xF278];
	_ =	sdelay $0x4  }
0x1d3: {  	v0 =	vmax.f32 v0, v60  }
0x1d4: {  	v61 =	vld [tilespmem:s2+$0xF288];
	[tilespmem:s2+$0xF278] =	vst v0  }
0x1d5: {  	v0 =	vld [tilespmem:s0+$0xF288];
	_ =	sdelay $0x4  }
0x1d6: {  	v0 =	vmax.f32 v0, v61  }
0x1d7: {  	v62 =	vld [tilespmem:s2+$0xF298];
	[tilespmem:s2+$0xF288] =	vst v0  }
0x1d8: {  	v0 =	vld [tilespmem:s0+$0xF298];
	_ =	sdelay $0x4  }
0x1d9: {  	v0 =	vmax.f32 v0, v62  }
0x1da: {  	v63 =	vld [tilespmem:s2+$0xF2A8];
	[tilespmem:s2+$0xF298] =	vst v0  }
0x1db: {  	v0 =	vld [tilespmem:s0+$0xF2A8];
	_ =	sdelay $0x1  }
.Ltmp26:
0x1dc: {  	_ = 	snop;
	(pc) =	sbr.rel .LBB2_33-.Ltmp26, $3  }
0x1dd: {  	_ =	sdelay $0x1  }
0x1de: {  	v0 =	vmax.f32 v0, v63  }
0x1df: {  	[tilespmem:s2+$0xF2A8] =	vst v0  }
.LBB2_34:
0x1e0: {  	s0 =	simm.s32 $0x6;
	p1 =	seq.s32 s6, $0x0  }
0x1e1: {  	[sflag:s0] =	ssyncpa.u1 $0x1;
	v0 =	vimm.s32 @p1 $0xFFFFFFFF  }
0x1e2: {  	s9 =	sadd.s32 $0xFFFFFFFF, s6;
	[tilespmem:$0x10238] =	vst @p1 v0  }
0x1e3: {  	v0 =	vld.msk @!p1 [tilespmem:s9+$0xF218], $0x1;
	_ =	sdelay $0x1  }
0x1e4: {  	v1 =	vld.msk @!p1 [tilespmem:$0xF218], $0x1;
	_ =	sdelay $0x2  }
0x1e5: {  	p2 =	seq.s32 @!p1 s9, $0x0;
	v0 =	vbroadcast @!p1 v0, $0x0  }
0x1e6: {  	vm0 =	vmmov @!p1 $0x1;
	p2 =	por !p2, p1  }
0x1e7: {  	v1 =	vnsel @!p1 vm0, $0xFFFFFFFF, v1;
	vm0 =	vcmask @!p1 $0x308;
	v0 =	vpsel !p2, $0xFFFFFFFF, v0  }
0x1e8: {  	p2 =	sne.s32 @!p1 s8, s7;
	v0 =	vsel @!p1 vm0, v1, v0  }
0x1e9: {  	s0 =	simm.s32 @!p1 $0xF238;
	s2 =	simm.s32 @!p1 $0x0;
	p3 =	por !p2, p1;
	[tilespmem:$0x10238] =	vst @!p1 v0  }
0x1ea: {  	[spmem:s2] =	stream.linear.scatter @!p1 [tilespmem:s0], [sflag:$0x1], $0x80, $0x38;
	[tilespmem:$0x1F6F8] =	vst v63  }
0x1eb: {  	s0 =	sshll.u32 @!p3 s9, $0x9  }
0x1ec: {  	s0 =	sshra.s32 @!p3 s0, $0x2  }
0x1ed: {  	s2 =	simm.s32 @!p3 $0x80;
	s0 =	sadd.s32 @!p3 $0xF238, s0  }
0x1ee: {  	[spmem:s2] =	stream.linear.scatter @!p3 [tilespmem:s0], [sflag:$0x1], $0x80, $0x38;
	[tilespmem:$0x1F6F8] =	vst v63  }
0x1ef: {  	s0 =	simm.s32 @!p3 $0x1  }
0x1f0: {  	_ =	swait.ge @!p3 [sflag:s0], $0x100  }
0x1f1: {  	p1 =	por p2, p1;
	[sflag:s0] =	ssyncset.done @!p3 $0x0  }
0x1f2: {  	[sflag:s0] =	ssyncadd.s32 @!p3 $0xFFFFFF00;
	s0 =	simm.s32 @!p1 $0x1  }
0x1f3: {  	_ =	swait.ge @!p1 [sflag:s0], $0x80  }
0x1f4: {  	s29 =	simm.s32 $0x10238;
	[sflag:s0] =	ssyncset.done @!p1 $0x0  }
0x1f5: {  	s30 =	simm.s32 $0x1000;
	s31 =	simm.s32 $0x1;
	[sflag:s0] =	ssyncadd.s32 @!p1 $0xFFFFFF80  }
0x1f6: {  	[spmem:s30] =	stream.linear.scatter [tilespmem:s29], [sflag:$0x1], $0x10, $0x38;
	[tilespmem:$0x1F6F8] =	vst v63  }
0x1f7: {  	_ =	swait.ge [sflag:s31], $0x10  }
0x1f8: {  	[sflag:s31] =	ssyncset.done $0x0  }
0x1f9: {  	p1 =	seq.s32 s15, $0x0;
	s8 =	rddreg [dreg:$0x2];
	[sflag:s31] =	ssyncadd.s32 $0xFFFFFFF0  }
0x1fa: {  	s2 =	sshll.u32 @p1 s8, $0xE;
	s7 =	rddreg [dreg:$0x3]  }
0x1fb: {  	s0 =	sadd.s32 @p1 $0x15C3C, s2;
	s2 =	sshll.u32 @p1 s7, $0x11  }
0x1fc: {  	_ =	sfence.stream.spmem;
	s0 =	sor.u32 @p1 s2, s0  }
0x1fd: {  	[sflag:s0] =	ssyncadd.remote.s32 @p1 $0x1;
	s0 =	simm.s32 @p1 $0x4  }
0x1fe: {  	s3 =	simm.s32 @!p1 $0x3C;
	s2 =	sand.u32 $0xFFFFFFFE, s8;
	_ =	swait.ge @p1 [sflag:s0], $0x22  }
0x1ff: {  	s4 =	simm.s32 @!p1 $0x0;
	s2 =	sadd.s32 @!p1 $0x4, s2;
	[sflag:s0] =	ssyncset.done @p1 $0x0  }
0x200: {  	s5 =	simm.s32 @!p1 $0x100;
	[sflag:s0] =	ssyncadd.s32 @p1 $0xFFFFFFDE;
	s0 =	sshll.u32 @!p1 s2, $0x1A  }
0x201: {  	s2 =	sshll.u32 @!p1 s2, $0xD;
	s0 =	sor.u32 @!p1 s0, s7;
	_ =	swait.eq @!p1 [sflag:s3], $0x1  }
0x202: {  	s2 =	sor.u32 @!p1 $0x1C04, s2;
	s3 =	simm.s32 @!p1 $0x1C03;
	s0 =	sor.u32 @!p1 $0x80004000, s0  }
0x203: {  	[spmem:s5], [sflag:s2] =	dma.general @!p1 [spmem:s4], [sflag:s3], length:$0x20, [dreg:$0x0], stride_count:$0x0, ici_dest:s0, dma_misc:DstOpCode:WRITE  }
0x204: {  	p2 =	slt.s32 s9, $0x2;
	s4 =	simm.s32 @!p1 $0x200;
	s5 =	simm.s32 @!p1 $0x202  }
0x205: {  	[spmem:s5], [sflag:s2] =	dma.general @!p1 [spmem:s4], [sflag:s3], length:$0x2, [dreg:$0x0], stride_count:$0x0, ici_dest:s0, dma_misc:DstOpCode:WRITE  }
.Ltmp27:
0x206: {  	s0 =	simm.s32 @!p1 $0x3;
	(pc) =	sbr.rel @p2 .LBB2_38-.Ltmp27, $4  }
0x207: {  	s2 =	sshll.u32 @!p1 s8, $0xE;
	_ =	swait.ge @!p1 [sflag:s0], $0x22  }
0x208: {  	s3 =	sshll.u32 @!p1 s7, $0x11;
	s2 =	sadd.s32 @!p1 $0x11C3C, s2;
	[sflag:s0] =	ssyncset.done @!p1 $0x0  }
0x209: {  	[sflag:s0] =	ssyncadd.s32 @!p1 $0xFFFFFFDE;
	s0 =	sor.u32 @!p1 s3, s2  }
0x20a: {  	[sflag:s0] =	ssyncadd.remote.s32 @!p1 $0xFFFFFFFF;
	s0 =	simm.s32 $0x0  }
0x20b: {  	s0 =	simm.s32 $0xF219  }
0x20c: {  	v0 =	vld.msk [tilespmem:s0+$0x0], $0x1;
	_ =	sdelay $0x4  }
0x20d: {  	(v2sf) =	vpush v0, $0x0;
	_ =	sdelay $0xb  }
0x20e: {  	s31 =	sadd.s32 $0xFFFFFFFE, s6  }
0x20f: {  	s0 =	sadd.s32 $0xFFFFFFFF, s31  }
0x210: {  	p2 =	sne.s32 s0, $0x0  }
.Ltmp28:
0x211: {  	s2 =	spop (v2sf);
	(pc) =	sbr.rel @!p2 .LBB2_37-.Ltmp28, $4  }
0x212: {  	s4 =	simm.s32 $0xF2B8;
	s7 =	simm.s32 $0x0;
	p1 =	sgt.u32 s2, $0x270F0  }
0x213: {  	s5 =	simm.s32 $0x0;
	s6 =	simm.s32 $0xF21A;
	s3 =	sand.u32 @!p1 $0x3FFF8, s2  }
0x214: {  	s2 =	sand.u32 @!p1 $0x7, s2;
	s7 =	simm.s32 @!p1 $0x200;
	s3 =	sadd.s32 @!p1 s1, s3  }
0x215: {  	[hbm4b:s3+s2] =	stream.linear.scatter @!p1 [tilespmem:s4], [sflag:$0x5], $0x80, $0x38;
	[tilespmem:$0x1F6F8] =	vst v63  }
.LBB2_36:
0x216: {  	v0 =	vld.msk [tilespmem:s6+$0x0], $0x1;
	s0 =	sadd.s32 $0xFFFFFFFF, s0;
	s5 =	sadd.s32 s5, s7  }
0x217: {  	p1 =	sne.s32 s0, $0x0;
	_ =	sdelay $0x3  }
0x218: {  	(v2sf) =	vpush v0, $0x0;
	_ =	sdelay $0xe  }
.Ltmp29:
0x219: {  	s2 =	spop (v2sf);
	(pc) =	sbr.rel @p1 .LBB2_36-.Ltmp29, $4  }
0x21a: {  	s7 =	simm.s32 $0x0;
	p2 =	sgt.u32 s2, $0x270F0  }
0x21b: {  	s4 =	sadd.s32 $0x80, s4;
	s7 =	simm.s32 @!p2 $0x200;
	s3 =	sand.u32 @!p2 $0x3FFF8, s2  }
0x21c: {  	s6 =	sadd.s32 $0x1, s6;
	s2 =	sand.u32 @!p2 $0x7, s2;
	s3 =	sadd.s32 @!p2 s1, s3  }
0x21d: {  	[hbm4b:s3+s2] =	stream.linear.scatter @!p2 [tilespmem:s4], [sflag:$0x5], $0x80, $0x38;
	[tilespmem:$0x1F6F8] =	vst v63  }
.LBB2_37:
0x21e: {  	s0 =	sadd.s32 s5, s7  }
0x21f: {  	s0 =	sshrl.u32 s0, $0x2  }
.LBB2_38:
0x220: {  	s2 =	simm.s32 $0x5  }
0x221: {  	_ =	swait.ge [sflag:s2], s0  }
0x222: {  	s31 =	ssub.s32 $0x0, s0;
	[sflag:s2] =	ssyncset.done $0x0  }
0x223: {  	[sflag:s2] =	ssyncadd.s32 s31  }
0x224: {  	[sflag:s2] =	ssyncpa.u1 $0x1  }
.LBB2_39:
0x225: {  	s0 =	sor.u32 s15, s16  }
0x226: {  	p1 =	sne.s32 s0, $0x0  }
.Ltmp30:
0x227: {  	_ = 	snop;
	(pc) =	sbr.rel @p1 .LBB2_54-.Ltmp30, $3  }
0x228: {  	_ =	sdelay $0x1  }
0x229: {  	[bflag:$0x0] =	sbarrier.arrive $0xFFFF  }
0x22a: {  	_ =	sfence  }
0x22b: {  	s0 =	simm.s32 $0x7  }
0x22c: {  	s2 =	simm.s32 $0x1000;
	s3 =	simm.s32 $0xF218;
	[sflag:s0] =	ssyncpa.u1 $0x0  }
0x22d: {  	[tilespmem:s3], [sflag:$0x7] =	stream.linear.gather [spmem:s2], $0x20, $0x38;
	[tilespmem:$0x1F6F8] =	vst v63  }
0x22e: {  	s30 =	simm.s32 $0xF238;
	s2 =	simm.s32 $0x0  }
0x22f: {  	[tilespmem:s30], [sflag:$0x7] =	stream.linear.gather [spmem:s2], $0x1000, $0x38;
	[tilespmem:$0x1F6F8] =	vst v63  }
.Ltmp31:
0x230: {  	_ = 	snop;
	(pc) =	sbr.rel .LBB2_41-.Ltmp31, $4  }
0x231: {  	_ =	swait.ge [sflag:s0], $0x1020  }
0x232: {  	[sflag:s0] =	ssyncset.done $0x0  }
0x233: {  	s31 =	simm.s32 $0x8;
	[sflag:s0] =	ssyncadd.s32 $0xFFFFEFE0  }
0x234: {  	s3 =	simm.s32 $0x0;
	[sflag:s31] =	ssyncpa.u1 $0x0  }
.LBB2_47:
0x235: {  	p1 =	slt.u32 s4, $0x270F1  }
0x236: {  	s0 =	sand.u32 @p1 $0x3FFF8, s4  }
0x237: {  	s4 =	sand.u32 @p1 $0x7, s4;
	s5 =	simm.s32 @p1 $0xF188;
	s0 =	sadd.s32 @p1 s1, s0  }
0x238: {  	[tilespmem:s5], [sflag:$0x8] =	stream.linear.gather @p1 [hbm4b:s0+s4], $0x80, $0x38;
	[tilespmem:$0x1F6F8] =	vst v63  }
0x239: {  	s0 =	simm.s32 @p1 $0x8  }
0x23a: {  	_ =	swait.ge @p1 [sflag:s0], $0x80  }
0x23b: {  	[sflag:s0] =	ssyncset.done @p1 $0x0  }
0x23c: {  	[sflag:s0] =	ssyncadd.s32 @p1 $0xFFFFFF80;
	s0 =	sshll.u32 @p1 s3, $0x9  }
0x23d: {  	s4 =	sshrl.u32 @p1 s0, $0x2;
	v1 =	vld @p1 [tilespmem:$0xF188]  }
0x23e: {  	v2 =	vld @p1 [tilespmem:s4+$0xF238];
	_ =	sdelay $0x4  }
0x23f: {  	v1 =	vmax.f32 @p1 v1, v2  }
0x240: {  	v2 =	vld @p1 [tilespmem:s4+$0xF248];
	[tilespmem:s4+$0xF238] =	vst @p1 v1  }
0x241: {  	v1 =	vld @p1 [tilespmem:$0xF198];
	_ =	sdelay $0x4  }
0x242: {  	v1 =	vmax.f32 @p1 v1, v2  }
0x243: {  	v2 =	vld @p1 [tilespmem:s4+$0xF258];
	[tilespmem:s4+$0xF248] =	vst @p1 v1  }
0x244: {  	v1 =	vld @p1 [tilespmem:$0xF1A8];
	_ =	sdelay $0x4  }
0x245: {  	v1 =	vmax.f32 @p1 v1, v2  }
0x246: {  	v2 =	vld @p1 [tilespmem:s4+$0xF268];
	[tilespmem:s4+$0xF258] =	vst @p1 v1  }
0x247: {  	v1 =	vld @p1 [tilespmem:$0xF1B8];
	_ =	sdelay $0x4  }
0x248: {  	v1 =	vmax.f32 @p1 v1, v2  }
0x249: {  	v2 =	vld @p1 [tilespmem:s4+$0xF278];
	[tilespmem:s4+$0xF268] =	vst @p1 v1  }
0x24a: {  	v1 =	vld @p1 [tilespmem:$0xF1C8];
	_ =	sdelay $0x4  }
0x24b: {  	v1 =	vmax.f32 @p1 v1, v2  }
0x24c: {  	v2 =	vld @p1 [tilespmem:s4+$0xF288];
	[tilespmem:s4+$0xF278] =	vst @p1 v1  }
0x24d: {  	v1 =	vld @p1 [tilespmem:$0xF1D8];
	_ =	sdelay $0x4  }
0x24e: {  	v1 =	vmax.f32 @p1 v1, v2  }
0x24f: {  	v2 =	vld @p1 [tilespmem:s4+$0xF298];
	[tilespmem:s4+$0xF288] =	vst @p1 v1  }
0x250: {  	v1 =	vld @p1 [tilespmem:$0xF1E8];
	_ =	sdelay $0x4  }
0x251: {  	v1 =	vmax.f32 @p1 v1, v2  }
0x252: {  	v2 =	vld @p1 [tilespmem:s4+$0xF2A8];
	[tilespmem:s4+$0xF298] =	vst @p1 v1  }
0x253: {  	v1 =	vld @p1 [tilespmem:$0xF1F8];
	_ =	sdelay $0x4  }
0x254: {  	s5 =	sshll.u32 @!p1 s3, $0x9;
	v1 =	vmax.f32 @p1 v1, v2  }
0x255: {  	s5 =	smov.u32 @p1 s0;
	[tilespmem:s4+$0xF2A8] =	vst @p1 v1  }
0x256: {  	s0 =	sshrl.u32 s5, $0x2;
	[tilespmem:s2+$0xF218] =	vst.msk $0x1, v0  }
0x257: {  	v0 =	vld [tilespmem:s0+$0xF238];
	_ =	sdelay $0x2  }
0x258: {  	s31 =	sshll.u32 s2, $0x9  }
0x259: {  	s4 =	sshra.s32 s31, $0x2  }
0x25a: {  	[tilespmem:s4+$0xF238] =	vst v0  }
0x25b: {  	v0 =	vld [tilespmem:s0+$0xF248];
	_ =	sdelay $0x4  }
0x25c: {  	[tilespmem:s4+$0xF248] =	vst v0  }
0x25d: {  	v0 =	vld [tilespmem:s0+$0xF258];
	_ =	sdelay $0x4  }
0x25e: {  	[tilespmem:s4+$0xF258] =	vst v0  }
0x25f: {  	v0 =	vld [tilespmem:s0+$0xF268];
	_ =	sdelay $0x4  }
0x260: {  	[tilespmem:s4+$0xF268] =	vst v0  }
0x261: {  	v0 =	vld [tilespmem:s0+$0xF278];
	_ =	sdelay $0x4  }
0x262: {  	[tilespmem:s4+$0xF278] =	vst v0  }
0x263: {  	v0 =	vld [tilespmem:s0+$0xF288];
	_ =	sdelay $0x4  }
0x264: {  	[tilespmem:s4+$0xF288] =	vst v0  }
0x265: {  	v0 =	vld [tilespmem:s0+$0xF298];
	_ =	sdelay $0x4  }
0x266: {  	[tilespmem:s4+$0xF298] =	vst v0  }
0x267: {  	v0 =	vld [tilespmem:s0+$0xF2A8];
	_ =	sdelay $0x4  }
0x268: {  	s2 =	sadd.s32 $0x1, s2;
	[tilespmem:s4+$0xF2A8] =	vst v0  }
.LBB2_48:
0x269: {  	s3 =	sadd.s32 $0x1, s3  }
0x26a: {  	p1 =	sne.s32 s3, $0x20  }
.Ltmp32:
0x26b: {  	_ = 	snop;
	(pc) =	sbr.rel @!p1 .LBB2_49-.Ltmp32, $1  }
0x26c: {  	_ =	sdelay $0x3  }
.LBB2_41:
0x26d: {  	v0 =	vld.msk [tilespmem:s3+$0xF218], $0x1;
	_ =	sdelay $0x4  }
0x26e: {  	(v2sf) =	vpush v0, $0x0;
	_ =	sdelay $0xe  }
0x26f: {  	s4 =	spop (v2sf)  }
0x270: {  	p1 =	seq.s32 s4, $0xFFFFFFFF  }
.Ltmp33:
0x271: {  	_ = 	snop;
	(pc) =	sbr.rel @p1 .LBB2_48-.Ltmp33, $1  }
0x272: {  	_ =	sdelay $0x3  }
0x273: {  	p1 =	slt.s32 s2, $0x1  }
.Ltmp34:
0x274: {  	_ = 	snop;
	(pc) =	sbr.rel @p1 .LBB2_47-.Ltmp34, $1  }
0x275: {  	_ =	sdelay $0x3  }
0x276: {  	s5 =	simm.s32 $0xF218;
	p1 =	por $0x0, $0x0  }
0x277: {  	v1 =	vld.msk @!p1 [tilespmem:s5+$0x0], $0x1;
	_ =	sdelay $0x4  }
0x278: {  	(v2sf) =	vpush @!p1 v1, $0x0;
	_ =	sdelay $0xd  }
0x279: {  	p3 =	sne.s32 s2, $0x1  }
.Ltmp35:
0x27a: {  	s0 =	spop @!p1 (v2sf);
	(pc) =	sbr.rel @!p3 .LBB2_45-.Ltmp35, $4  }
0x27b: {  	p2 =	seq.s32 @!p1 s4, s0  }
0x27c: {  	s6 =	simm.s32 $0x0;
	p2 =	por !p2, p1  }
0x27d: {  	s7 =	simm.s32 $0xFFFFFFFF;
	s6 =	simm.s32 @p2 $0xFFFFFFFF  }
0x27e: {  	s0 =	simm.s32 $0x1;
	s6 =	smov.u32 @p1 s7  }
.LBB2_44:
0x27f: {  	s7 =	smov.u32 s6;
	p1 =	sne.s32 s6, $0xFFFFFFFF  }
0x280: {  	s5 =	sadd.s32 $0x1, s5;
	s6 =	smov.u32 s0;
	s0 =	sadd.s32 $0x1, s0  }
0x281: {  	p2 =	sne.s32 s2, s0;
	v1 =	vld.msk @!p1 [tilespmem:s5+$0x0], $0x1;
	_ =	sdelay $0x4  }
0x282: {  	(v2sf) =	vpush @!p1 v1, $0x0;
	_ =	sdelay $0xe  }
.Ltmp36:
0x283: {  	s8 =	spop @!p1 (v2sf);
	(pc) =	sbr.rel @p2 .LBB2_44-.Ltmp36, $4  }
0x284: {  	p3 =	seq.s32 @!p1 s4, s8  }
0x285: {  	p3 =	por !p3, p1  }
0x286: {  	s6 =	simm.s32 @p3 $0xFFFFFFFF  }
0x287: {  	s6 =	smov.u32 @p1 s7  }
.LBB2_45:
0x288: {  	p1 =	seq.s32 s6, $0xFFFFFFFF  }
.Ltmp37:
0x289: {  	_ = 	snop;
	(pc) =	sbr.rel @p1 .LBB2_47-.Ltmp37, $1  }
0x28a: {  	_ =	sdelay $0x3  }
0x28b: {  	s0 =	sshll.u32 s3, $0x7  }
0x28c: {  	s4 =	sshll.u32 s6, $0x9;
	s0 =	sand.u32 $0x3FFFFF80, s0  }
0x28d: {  	s4 =	sshra.s32 s4, $0x2;
	v0 =	vld [tilespmem:s0+$0xF238]  }
0x28e: {  	v1 =	vld [tilespmem:s4+$0xF238];
	_ =	sdelay $0x4  }
0x28f: {  	v0 =	vmax.f32 v0, v1  }
0x290: {  	v57 =	vld [tilespmem:s4+$0xF248];
	[tilespmem:s4+$0xF238] =	vst v0  }
0x291: {  	v0 =	vld [tilespmem:s0+$0xF248];
	_ =	sdelay $0x4  }
0x292: {  	v0 =	vmax.f32 v0, v57  }
0x293: {  	v58 =	vld [tilespmem:s4+$0xF258];
	[tilespmem:s4+$0xF248] =	vst v0  }
0x294: {  	v0 =	vld [tilespmem:s0+$0xF258];
	_ =	sdelay $0x4  }
0x295: {  	v0 =	vmax.f32 v0, v58  }
0x296: {  	v59 =	vld [tilespmem:s4+$0xF268];
	[tilespmem:s4+$0xF258] =	vst v0  }
0x297: {  	v0 =	vld [tilespmem:s0+$0xF268];
	_ =	sdelay $0x4  }
0x298: {  	v0 =	vmax.f32 v0, v59  }
0x299: {  	v60 =	vld [tilespmem:s4+$0xF278];
	[tilespmem:s4+$0xF268] =	vst v0  }
0x29a: {  	v0 =	vld [tilespmem:s0+$0xF278];
	_ =	sdelay $0x4  }
0x29b: {  	v0 =	vmax.f32 v0, v60  }
0x29c: {  	v61 =	vld [tilespmem:s4+$0xF288];
	[tilespmem:s4+$0xF278] =	vst v0  }
0x29d: {  	v0 =	vld [tilespmem:s0+$0xF288];
	_ =	sdelay $0x4  }
0x29e: {  	v0 =	vmax.f32 v0, v61  }
0x29f: {  	v62 =	vld [tilespmem:s4+$0xF298];
	[tilespmem:s4+$0xF288] =	vst v0  }
0x2a0: {  	v0 =	vld [tilespmem:s0+$0xF298];
	_ =	sdelay $0x4  }
0x2a1: {  	v0 =	vmax.f32 v0, v62  }
0x2a2: {  	v63 =	vld [tilespmem:s4+$0xF2A8];
	[tilespmem:s4+$0xF298] =	vst v0  }
0x2a3: {  	v0 =	vld [tilespmem:s0+$0xF2A8];
	_ =	sdelay $0x1  }
.Ltmp38:
0x2a4: {  	_ = 	snop;
	(pc) =	sbr.rel .LBB2_48-.Ltmp38, $3  }
0x2a5: {  	_ =	sdelay $0x1  }
0x2a6: {  	v0 =	vmax.f32 v0, v63  }
0x2a7: {  	[tilespmem:s4+$0xF2A8] =	vst v0  }
.LBB2_49:
0x2a8: {  	p1 =	slt.s32 s2, $0x1  }
.Ltmp39:
0x2a9: {  	_ = 	snop;
	(pc) =	sbr.rel @p1 .LBB2_53-.Ltmp39, $3  }
0x2aa: {  	_ =	sdelay $0x1  }
0x2ab: {  	s0 =	simm.s32 $0x8  }
0x2ac: {  	s3 =	simm.s32 $0x0;
	[sflag:s0] =	ssyncpa.u1 $0x1  }
0x2ad: {  	s0 =	simm.s32 $0xF218  }
0x2ae: {  	v0 =	vld.msk [tilespmem:s0+$0x0], $0x1;
	_ =	sdelay $0x4  }
0x2af: {  	(v2sf) =	vpush v0, $0x0;
	_ =	sdelay $0xe  }
0x2b0: {  	s0 =	sadd.s32 $0xFFFFFFFF, s2;
	s5 =	spop (v2sf)  }
0x2b1: {  	p2 =	sne.s32 s0, $0x0;
	p1 =	sgt.u32 s5, $0x270F0  }
.Ltmp40:
0x2b2: {  	s6 =	sand.u32 @!p1 $0x3FFF8, s5;
	(pc) =	sbr.rel @!p2 .LBB2_52-.Ltmp40, $4  }
0x2b3: {  	s4 =	simm.s32 $0xF238;
	s5 =	sand.u32 @!p1 $0x7, s5;
	s2 =	sadd.s32 @!p1 s1, s6  }
0x2b4: {  	[hbm4b:s2+s5] =	stream.linear.scatter @!p1 [tilespmem:s4], [sflag:$0x7], $0x80, $0x38;
	[tilespmem:$0x1F6F8] =	vst v63  }
0x2b5: {  	s5 =	simm.s32 $0x0  }
0x2b6: {  	s2 =	simm.s32 $0xF219;
	s5 =	simm.s32 @!p1 $0x200  }
.LBB2_51:
0x2b7: {  	v0 =	vld.msk [tilespmem:s2+$0x0], $0x1;
	s0 =	sadd.s32 $0xFFFFFFFF, s0;
	s3 =	sadd.s32 s3, s5  }
0x2b8: {  	p1 =	sne.s32 s0, $0x0;
	_ =	sdelay $0x3  }
0x2b9: {  	(v2sf) =	vpush v0, $0x0;
	_ =	sdelay $0xe  }
.Ltmp41:
0x2ba: {  	s6 =	spop (v2sf);
	(pc) =	sbr.rel @p1 .LBB2_51-.Ltmp41, $4  }
0x2bb: {  	s5 =	simm.s32 $0x0;
	p2 =	sgt.u32 s6, $0x270F0  }
0x2bc: {  	s4 =	sadd.s32 $0x80, s4;
	s5 =	simm.s32 @!p2 $0x200;
	s7 =	sand.u32 @!p2 $0x3FFF8, s6  }
0x2bd: {  	s2 =	sadd.s32 $0x1, s2;
	s6 =	sand.u32 @!p2 $0x7, s6;
	s7 =	sadd.s32 @!p2 s1, s7  }
0x2be: {  	[hbm4b:s7+s6] =	stream.linear.scatter @!p2 [tilespmem:s4], [sflag:$0x7], $0x80, $0x38;
	[tilespmem:$0x1F6F8] =	vst v63  }
.LBB2_52:
0x2bf: {  	s0 =	sadd.s32 s3, s5  }
0x2c0: {  	s3 =	sshrl.u32 s0, $0x2  }
.LBB2_53:
0x2c1: {  	s0 =	simm.s32 $0x7  }
0x2c2: {  	_ =	swait.ge [sflag:s0], s3  }
0x2c3: {  	s1 =	ssub.s32 $0x0, s3;
	[sflag:s0] =	ssyncset.done $0x0  }
0x2c4: {  	[sflag:s0] =	ssyncadd.s32 s1  }
0x2c5: {  	[sflag:s0] =	ssyncpa.u1 $0x1  }
.LBB2_54:
0x2c6: {  	_ =	sfence;
	s0 =	simm.s32 $0x1  }
0x2c7: {  	[sflag:s0] =	ssyncpa.u1 $0x1  }
0x2c8: {  	_ =	strace $0x9000004D  }
0x2c9: {  	[bflag:$0x2] =	sbarrier.arrive $0xFFFF  }
0x2ca: {  	s0 =	rddreg [dreg:$0x4]  }
0x2cb: {  	s0 =	sadd.s32 @!p0 $0x100000, s0  }
0x2cc: {  	[sflag:s0] =	ssyncadd.tile.s32 @!p0 $0x1;
	_ =	shalt  }
.Lfunc_end2:
_tile_overlayer_lowered:
.L_overlay_start_2:
0x2cd: {  	(tag) =	ssettag $0x2  }
0x2ce: {  	s0 =	rddreg [dreg:$0x0];
	s2 =	stileid.u32  }
0x2cf: {  	s1 =	rddreg [dreg:$0x1];
	p0 =	sne.s32 s2, $0x0  }
0x2d0: {  	s3 =	rddreg [dreg:$0x2];
	[bflag:$0x3] =	sbarrier.arrive $0xFFFF;
	s2 =	simm.s32 @!p0 $0x1C01  }
0x2d1: {  	[timem:s3], [sflag:s2] =	dma.local @!p0 [hbm:s0], s1  }
0x2d2: {  	s0 =	simm.s32 @!p0 $0x1  }
0x2d3: {  	_ =	swait.ge @!p0 [sflag:s0], s1  }
0x2d4: {  	s1 =	ssub.s32 @!p0 $0x0, s1;
	[sflag:s0] =	ssyncset.done @!p0 $0x0  }
0x2d5: {  	[sflag:s0] =	ssyncadd.s32 @!p0 s1  }
0x2d6: {  	[bflag:$0x3] =	sbarrier.arrive $0xFFFF  }
0x2d7: {  	_ =	shalt  }

</sc_bundles>
